<compile_context>
chip_gen: v7x
topology: tpu7x:2x2x1
jax: 0.10.2.dev20260603
libtpu: 0.0.44.dev20260713+nightly
codegen_flags: <defaults>
</compile_context>

<pallas_src>
import functools

import jax
import jax.numpy as jnp
from jax import lax
from jax.experimental import pallas as pl
from jax.experimental.pallas import tpu as pltpu
from jax.experimental.pallas import tpu_sc as plsc

N = 10000
E = 320000
D = 128

NC = 2
NS = 16
NW = NC * NS

NPAD = 10240
ROWS_PER_TILE = NPAD // NS

EDGES_PER_W = E // NW
CHUNK = 80
NSTEPS = EDGES_PER_W // CHUNK
OUT_CHUNKS = ROWS_PER_TILE // CHUNK


def _sc_aggregate(node_feature, src, dst, zeros_init):
    mesh = plsc.VectorSubcoreMesh(
        core_axis_name="c", subcore_axis_name="s", num_cores=NC,
        num_subcores=NS)

    @functools.partial(
        pl.kernel,
        out_type=jax.ShapeDtypeStruct((NC * NPAD, D), jnp.float32),
        mesh=mesh,
        scratch_types=[
            pltpu.VMEM_SHARED((NPAD, D), jnp.float32),
            pltpu.VMEM((CHUNK,), jnp.int32),
            pltpu.VMEM((CHUNK,), jnp.int32),
            pltpu.VMEM((CHUNK, D), jnp.float32),
            pltpu.SemaphoreType.DMA,
        ],
    )
    def agg_kernel(nf_hbm, src_hbm, dst_hbm, zero_hbm, out_hbm,
                   acc_sh, src_v, dst_v, rows_v, sem):
        cid = lax.axis_index("c")
        sid = lax.axis_index("s")
        wid = sid * NC + cid

        row0 = pl.multiple_of(sid * ROWS_PER_TILE, 8)
        for j in range(OUT_CHUNKS):
            pltpu.sync_copy(zero_hbm, acc_sh.at[pl.ds(row0 + j * CHUNK, CHUNK)])
        plsc.subcore_barrier()

        ebase = pl.multiple_of(wid * EDGES_PER_W, 8)

        @pl.loop(0, NSTEPS)
        def _edge_step(i):
            base = pl.multiple_of(ebase + i * CHUNK, 8)
            pltpu.sync_copy(src_hbm.at[pl.ds(base, CHUNK)], src_v)
            pltpu.sync_copy(dst_hbm.at[pl.ds(base, CHUNK)], dst_v)
            pltpu.async_copy(nf_hbm.at[src_v], rows_v, sem).wait()
            pltpu.sync_copy(rows_v, acc_sh.at[dst_v], add=True)

        plsc.subcore_barrier()

        obase = cid * NPAD + sid * ROWS_PER_TILE
        for j in range(OUT_CHUNKS):
            pltpu.sync_copy(acc_sh.at[pl.ds(row0 + j * CHUNK, CHUNK)], rows_v)
            pltpu.sync_copy(rows_v, out_hbm.at[pl.ds(obase + j * CHUNK, CHUNK)])

    return agg_kernel(node_feature, src, dst, zeros_init)


def _mlp_block(p0, p1, nf, w1a, w1b, b1, w2, b2, w3, b3, out):
    agg = p0[...] + p1[...]
    h = agg @ w1a[...] + nf[...] @ w1b[...] + b1[...]
    h = jnp.maximum(h, 0.0)
    h = h @ w2[...] + b2[...]
    h = jnp.maximum(h, 0.0)
    out[...] = h @ w3[...] + b3[...]


def _tc_mlp(p0, p1, nf_pad, W1a, W1b, b1, W2, b2, W3, b3):
    BR = 1280
    grid = NPAD // BR
    row_spec = pl.BlockSpec((BR, D), lambda i: (i, 0))
    full2 = pl.BlockSpec((D, D), lambda i: (0, 0))
    bias = pl.BlockSpec((1, D), lambda i: (0, 0))
    return pl.pallas_call(
        _mlp_block,
        grid=(grid,),
        in_specs=[row_spec, row_spec, row_spec,
                  full2, full2, bias, full2, bias, full2, bias],
        out_specs=row_spec,
        out_shape=jax.ShapeDtypeStruct((NPAD, D), jnp.float32),
    )(p0, p1, nf_pad, W1a, W1b, b1, W2, b2, W3, b3)


@jax.jit
def kernel(node_feature, edge_index, W1, b1, W2, b2, W3, b3):
    src = edge_index[0]
    dst = edge_index[1]
    zeros_init = jnp.zeros((CHUNK, D), jnp.float32)

    partials = _sc_aggregate(node_feature, src, dst, zeros_init)
    p0 = partials[:NPAD]
    p1 = partials[NPAD:]

    nf_pad = jnp.pad(node_feature, ((0, NPAD - N), (0, 0)))
    out = _tc_mlp(p0, p1, nf_pad,
                  W1[:D], W1[D:], b1.reshape(1, D),
                  W2, b2.reshape(1, D), W3, b3.reshape(1, D))
    return out[:N]

# --- scband reference (transcript-rebuilt; emitter-appended) ---
"""Pipeline reference for scband-feed-forward-neighbor-19791209300471 (READ-ONLY COPY).

The authoritative reference and input builder live on the scoring server;
editing this copy changes nothing except your own understanding.
"""

import jax, jax.numpy as jnp
import numpy as np

N = 10000
E = 320000
D = 128
HIDDEN = [128, 128]

def setup_inputs(seed: int = 0) -> dict:
    key = jax.random.key(seed)
    ks = jax.random.split(key, 8)
    node_feature = jax.random.normal(ks[0], (N, D), dtype=jnp.float32)
    edge_index = jax.random.randint(ks[1], (2, E), 0, N, dtype=jnp.int32)
    in_dim = 2 * D  # neighbor_degree=1 -> concat(aggregated, node_feature)
    def init_w(k, fan_in, fan_out):
        return jax.random.normal(k, (fan_in, fan_out), dtype=jnp.float32) * (1.0 / np.sqrt(fan_in))
    W1 = init_w(ks[2], in_dim, HIDDEN[0])
    b1 = jnp.zeros((HIDDEN[0],), dtype=jnp.float32)
    W2 = init_w(ks[3], HIDDEN[0], HIDDEN[1])
    b2 = jnp.zeros((HIDDEN[1],), dtype=jnp.float32)
    W3 = init_w(ks[4], HIDDEN[1], D)
    b3 = jnp.zeros((D,), dtype=jnp.float32)
    return {"node_feature": node_feature, "edge_index": edge_index,
            "W1": W1, "b1": b1, "W2": W2, "b2": b2, "W3": W3, "b3": b3}

def reference(node_feature, edge_index, W1, b1, W2, b2, W3, b3):
    # message: neighbor_feature = src node feature (gather)
    src = edge_index[0]
    dst = edge_index[1]
    msgs = jnp.take(node_feature, src, axis=0)
    # reduce: sum over mailbox (scatter-add by destination node)
    aggregated = jax.ops.segment_sum(msgs, dst, num_segments=node_feature.shape[0])
    # apply: MLP(concat(aggregated_message, node_feature))
    inp = jnp.concatenate([aggregated, node_feature], axis=-1)
    h = jax.nn.relu(inp @ W1 + b1)
    h = jax.nn.relu(h @ W2 + b2)
    out = h @ W3 + b3
    return out

if __name__ == "__main__":
    import jax
    _d = setup_inputs()
    print(jax.jit(kernel)(*tuple(_d.values())))

</pallas_src>

<mosaic_0001>
#map = affine_map<(d0, d1) -> (0, 0)>
#map1 = affine_map<(d0, d1) -> (0)>
module attributes {stable_mosaic.version = 14 : i64} {
  func.func @agg_kernel(%arg0: i32, %arg1: i32, %arg2: memref<10000x128xf32, #tpu.memory_space<hbm>>, %arg3: memref<320000xi32, #tpu.memory_space<hbm>>, %arg4: memref<320000xi32, #tpu.memory_space<hbm>>, %arg5: memref<80x128xf32, #tpu.memory_space<hbm>>, %arg6: memref<20480x128xf32, #tpu.memory_space<hbm>>, %arg7: memref<10240x128xf32, #tpu.memory_space<vmem_shared>>, %arg8: memref<80xi32, #tpu.memory_space<vmem>>, %arg9: memref<80xi32, #tpu.memory_space<vmem>>, %arg10: memref<80x128xf32, #tpu.memory_space<vmem>>, %arg11: memref<!tpu.dma_semaphore, #tpu.memory_space<semaphore_mem>>) attributes {dimension_semantics = [#tpu.dimension_semantics<core_parallel>, #tpu.dimension_semantics<subcore_parallel>], iteration_bounds = array<i64: 2, 16>, scalar_prefetch = 0 : i64, scratch_operands = 5 : i64, tpu.core_type = #tpu.core_type<sc_vector_subcore>, window_params = [{transform_indices = #map}, {transform_indices = #map1}, {transform_indices = #map1}, {transform_indices = #map}, {transform_indices = #map}]} {
    %mul3A = arith.constant 2 : i32
    %mul3A_0 = arith.muli %arg1, %mul3A : i32
    %add3A = arith.addi %mul3A_0, %arg0 : i32
    %mul3A_1 = arith.constant 640 : i32
    %mul3A_2 = arith.muli %arg1, %mul3A_1 : i32
    %multiple_of3A = tpu.assume_multiple %mul3A_2, 8 : i32
    %add3A_3 = arith.constant 0 : i32
    %add3A_4 = arith.addi %multiple_of3A, %add3A_3 : i32
    "tpu.region"() ({
      %run_scoped3A = tpu.sem_alloc : memref<!tpu.dma_semaphore, #tpu.memory_space<semaphore_mem>>
      %dma_start3A = arith.constant 0 : i32
      %dma_start3A_64 = tpu.memref_slice %arg7[%add3A_4, %dma_start3A] : memref<10240x128xf32, #tpu.memory_space<vmem_shared>> -> memref<80x128xf32, #tpu.memory_space<vmem_shared>>
      tpu.enqueue_dma source(%arg5 : memref<80x128xf32, #tpu.memory_space<hbm>>) target(%dma_start3A_64 : memref<80x128xf32, #tpu.memory_space<vmem_shared>>) target_semaphore(%run_scoped3A : memref<!tpu.dma_semaphore, #tpu.memory_space<semaphore_mem>>)
      %dma_wait3A = arith.constant 0 : i32
      %dma_wait3A_65 = tpu.memref_slice %arg7[%add3A_4, %dma_wait3A] : memref<10240x128xf32, #tpu.memory_space<vmem_shared>> -> memref<80x128xf32, #tpu.memory_space<vmem_shared>>
      tpu.wait_dma2 semaphore(%run_scoped3A : memref<!tpu.dma_semaphore, #tpu.memory_space<semaphore_mem>>) src(%arg5 : memref<80x128xf32, #tpu.memory_space<hbm>>) dst(%dma_wait3A_65 : memref<80x128xf32, #tpu.memory_space<vmem_shared>>)
      tpu.yield
    }) : () -> ()
    %add3A_5 = arith.constant 80 : i32
    %add3A_6 = arith.addi %multiple_of3A, %add3A_5 : i32
    "tpu.region"() ({
      %run_scoped3A = tpu.sem_alloc : memref<!tpu.dma_semaphore, #tpu.memory_space<semaphore_mem>>
      %dma_start3A = arith.constant 0 : i32
      %dma_start3A_64 = tpu.memref_slice %arg7[%add3A_6, %dma_start3A] : memref<10240x128xf32, #tpu.memory_space<vmem_shared>> -> memref<80x128xf32, #tpu.memory_space<vmem_shared>>
      tpu.enqueue_dma source(%arg5 : memref<80x128xf32, #tpu.memory_space<hbm>>) target(%dma_start3A_64 : memref<80x128xf32, #tpu.memory_space<vmem_shared>>) target_semaphore(%run_scoped3A : memref<!tpu.dma_semaphore, #tpu.memory_space<semaphore_mem>>)
      %dma_wait3A = arith.constant 0 : i32
      %dma_wait3A_65 = tpu.memref_slice %arg7[%add3A_6, %dma_wait3A] : memref<10240x128xf32, #tpu.memory_space<vmem_shared>> -> memref<80x128xf32, #tpu.memory_space<vmem_shared>>
      tpu.wait_dma2 semaphore(%run_scoped3A : memref<!tpu.dma_semaphore, #tpu.memory_space<semaphore_mem>>) src(%arg5 : memref<80x128xf32, #tpu.memory_space<hbm>>) dst(%dma_wait3A_65 : memref<80x128xf32, #tpu.memory_space<vmem_shared>>)
      tpu.yield
    }) : () -> ()
    %add3A_7 = arith.constant 160 : i32
    %add3A_8 = arith.addi %multiple_of3A, %add3A_7 : i32
    "tpu.region"() ({
      %run_scoped3A = tpu.sem_alloc : memref<!tpu.dma_semaphore, #tpu.memory_space<semaphore_mem>>
      %dma_start3A = arith.constant 0 : i32
      %dma_start3A_64 = tpu.memref_slice %arg7[%add3A_8, %dma_start3A] : memref<10240x128xf32, #tpu.memory_space<vmem_shared>> -> memref<80x128xf32, #tpu.memory_space<vmem_shared>>
      tpu.enqueue_dma source(%arg5 : memref<80x128xf32, #tpu.memory_space<hbm>>) target(%dma_start3A_64 : memref<80x128xf32, #tpu.memory_space<vmem_shared>>) target_semaphore(%run_scoped3A : memref<!tpu.dma_semaphore, #tpu.memory_space<semaphore_mem>>)
      %dma_wait3A = arith.constant 0 : i32
      %dma_wait3A_65 = tpu.memref_slice %arg7[%add3A_8, %dma_wait3A] : memref<10240x128xf32, #tpu.memory_space<vmem_shared>> -> memref<80x128xf32, #tpu.memory_space<vmem_shared>>
      tpu.wait_dma2 semaphore(%run_scoped3A : memref<!tpu.dma_semaphore, #tpu.memory_space<semaphore_mem>>) src(%arg5 : memref<80x128xf32, #tpu.memory_space<hbm>>) dst(%dma_wait3A_65 : memref<80x128xf32, #tpu.memory_space<vmem_shared>>)
      tpu.yield
    }) : () -> ()
    %add3A_9 = arith.constant 240 : i32
    %add3A_10 = arith.addi %multiple_of3A, %add3A_9 : i32
    "tpu.region"() ({
      %run_scoped3A = tpu.sem_alloc : memref<!tpu.dma_semaphore, #tpu.memory_space<semaphore_mem>>
      %dma_start3A = arith.constant 0 : i32
      %dma_start3A_64 = tpu.memref_slice %arg7[%add3A_10, %dma_start3A] : memref<10240x128xf32, #tpu.memory_space<vmem_shared>> -> memref<80x128xf32, #tpu.memory_space<vmem_shared>>
      tpu.enqueue_dma source(%arg5 : memref<80x128xf32, #tpu.memory_space<hbm>>) target(%dma_start3A_64 : memref<80x128xf32, #tpu.memory_space<vmem_shared>>) target_semaphore(%run_scoped3A : memref<!tpu.dma_semaphore, #tpu.memory_space<semaphore_mem>>)
      %dma_wait3A = arith.constant 0 : i32
      %dma_wait3A_65 = tpu.memref_slice %arg7[%add3A_10, %dma_wait3A] : memref<10240x128xf32, #tpu.memory_space<vmem_shared>> -> memref<80x128xf32, #tpu.memory_space<vmem_shared>>
      tpu.wait_dma2 semaphore(%run_scoped3A : memref<!tpu.dma_semaphore, #tpu.memory_space<semaphore_mem>>) src(%arg5 : memref<80x128xf32, #tpu.memory_space<hbm>>) dst(%dma_wait3A_65 : memref<80x128xf32, #tpu.memory_space<vmem_shared>>)
      tpu.yield
    }) : () -> ()
    %add3A_11 = arith.constant 320 : i32
    %add3A_12 = arith.addi %multiple_of3A, %add3A_11 : i32
    "tpu.region"() ({
      %run_scoped3A = tpu.sem_alloc : memref<!tpu.dma_semaphore, #tpu.memory_space<semaphore_mem>>
      %dma_start3A = arith.constant 0 : i32
      %dma_start3A_64 = tpu.memref_slice %arg7[%add3A_12, %dma_start3A] : memref<10240x128xf32, #tpu.memory_space<vmem_shared>> -> memref<80x128xf32, #tpu.memory_space<vmem_shared>>
      tpu.enqueue_dma source(%arg5 : memref<80x128xf32, #tpu.memory_space<hbm>>) target(%dma_start3A_64 : memref<80x128xf32, #tpu.memory_space<vmem_shared>>) target_semaphore(%run_scoped3A : memref<!tpu.dma_semaphore, #tpu.memory_space<semaphore_mem>>)
      %dma_wait3A = arith.constant 0 : i32
      %dma_wait3A_65 = tpu.memref_slice %arg7[%add3A_12, %dma_wait3A] : memref<10240x128xf32, #tpu.memory_space<vmem_shared>> -> memref<80x128xf32, #tpu.memory_space<vmem_shared>>
      tpu.wait_dma2 semaphore(%run_scoped3A : memref<!tpu.dma_semaphore, #tpu.memory_space<semaphore_mem>>) src(%arg5 : memref<80x128xf32, #tpu.memory_space<hbm>>) dst(%dma_wait3A_65 : memref<80x128xf32, #tpu.memory_space<vmem_shared>>)
      tpu.yield
    }) : () -> ()
    %add3A_13 = arith.constant 400 : i32
    %add3A_14 = arith.addi %multiple_of3A, %add3A_13 : i32
    "tpu.region"() ({
      %run_scoped3A = tpu.sem_alloc : memref<!tpu.dma_semaphore, #tpu.memory_space<semaphore_mem>>
      %dma_start3A = arith.constant 0 : i32
      %dma_start3A_64 = tpu.memref_slice %arg7[%add3A_14, %dma_start3A] : memref<10240x128xf32, #tpu.memory_space<vmem_shared>> -> memref<80x128xf32, #tpu.memory_space<vmem_shared>>
      tpu.enqueue_dma source(%arg5 : memref<80x128xf32, #tpu.memory_space<hbm>>) target(%dma_start3A_64 : memref<80x128xf32, #tpu.memory_space<vmem_shared>>) target_semaphore(%run_scoped3A : memref<!tpu.dma_semaphore, #tpu.memory_space<semaphore_mem>>)
      %dma_wait3A = arith.constant 0 : i32
      %dma_wait3A_65 = tpu.memref_slice %arg7[%add3A_14, %dma_wait3A] : memref<10240x128xf32, #tpu.memory_space<vmem_shared>> -> memref<80x128xf32, #tpu.memory_space<vmem_shared>>
      tpu.wait_dma2 semaphore(%run_scoped3A : memref<!tpu.dma_semaphore, #tpu.memory_space<semaphore_mem>>) src(%arg5 : memref<80x128xf32, #tpu.memory_space<hbm>>) dst(%dma_wait3A_65 : memref<80x128xf32, #tpu.memory_space<vmem_shared>>)
      tpu.yield
    }) : () -> ()
    %add3A_15 = arith.constant 480 : i32
    %add3A_16 = arith.addi %multiple_of3A, %add3A_15 : i32
    "tpu.region"() ({
      %run_scoped3A = tpu.sem_alloc : memref<!tpu.dma_semaphore, #tpu.memory_space<semaphore_mem>>
      %dma_start3A = arith.constant 0 : i32
      %dma_start3A_64 = tpu.memref_slice %arg7[%add3A_16, %dma_start3A] : memref<10240x128xf32, #tpu.memory_space<vmem_shared>> -> memref<80x128xf32, #tpu.memory_space<vmem_shared>>
      tpu.enqueue_dma source(%arg5 : memref<80x128xf32, #tpu.memory_space<hbm>>) target(%dma_start3A_64 : memref<80x128xf32, #tpu.memory_space<vmem_shared>>) target_semaphore(%run_scoped3A : memref<!tpu.dma_semaphore, #tpu.memory_space<semaphore_mem>>)
      %dma_wait3A = arith.constant 0 : i32
      %dma_wait3A_65 = tpu.memref_slice %arg7[%add3A_16, %dma_wait3A] : memref<10240x128xf32, #tpu.memory_space<vmem_shared>> -> memref<80x128xf32, #tpu.memory_space<vmem_shared>>
      tpu.wait_dma2 semaphore(%run_scoped3A : memref<!tpu.dma_semaphore, #tpu.memory_space<semaphore_mem>>) src(%arg5 : memref<80x128xf32, #tpu.memory_space<hbm>>) dst(%dma_wait3A_65 : memref<80x128xf32, #tpu.memory_space<vmem_shared>>)
      tpu.yield
    }) : () -> ()
    %add3A_17 = arith.constant 560 : i32
    %add3A_18 = arith.addi %multiple_of3A, %add3A_17 : i32
    "tpu.region"() ({
      %run_scoped3A = tpu.sem_alloc : memref<!tpu.dma_semaphore, #tpu.memory_space<semaphore_mem>>
      %dma_start3A = arith.constant 0 : i32
      %dma_start3A_64 = tpu.memref_slice %arg7[%add3A_18, %dma_start3A] : memref<10240x128xf32, #tpu.memory_space<vmem_shared>> -> memref<80x128xf32, #tpu.memory_space<vmem_shared>>
      tpu.enqueue_dma source(%arg5 : memref<80x128xf32, #tpu.memory_space<hbm>>) target(%dma_start3A_64 : memref<80x128xf32, #tpu.memory_space<vmem_shared>>) target_semaphore(%run_scoped3A : memref<!tpu.dma_semaphore, #tpu.memory_space<semaphore_mem>>)
      %dma_wait3A = arith.constant 0 : i32
      %dma_wait3A_65 = tpu.memref_slice %arg7[%add3A_18, %dma_wait3A] : memref<10240x128xf32, #tpu.memory_space<vmem_shared>> -> memref<80x128xf32, #tpu.memory_space<vmem_shared>>
      tpu.wait_dma2 semaphore(%run_scoped3A : memref<!tpu.dma_semaphore, #tpu.memory_space<semaphore_mem>>) src(%arg5 : memref<80x128xf32, #tpu.memory_space<hbm>>) dst(%dma_wait3A_65 : memref<80x128xf32, #tpu.memory_space<vmem_shared>>)
      tpu.yield
    }) : () -> ()
    %barrier3A = arith.constant 0 : index
    tpu.barrier barrier_id(%barrier3A)
    %mul3A_19 = arith.constant 10000 : i32
    %mul3A_20 = arith.muli %add3A, %mul3A_19 : i32
    %multiple_of3A_21 = tpu.assume_multiple %mul3A_20, 8 : i32
    %scan3A = arith.constant 0 : i32
    %scan3A_22 = arith.constant 125 : i32
    %scan3A_23 = arith.addi %scan3A, %scan3A_22 : i32
    %scan3A_24 = arith.constant 1 : i32
    scf.for %scan3A_64 = %scan3A to %scan3A_23 step %scan3A_24  : i32 {
      %mul3A_65 = arith.constant 1 : i32
      %mul3A_66 = arith.muli %scan3A_64, %mul3A_65 : i32
      %add3A_67 = arith.constant 0 : i32
      %add3A_68 = arith.addi %add3A_67, %mul3A_66 : i32
      %mul3A_69 = arith.constant 80 : i32
      %mul3A_70 = arith.muli %add3A_68, %mul3A_69 : i32
      %add3A_71 = arith.addi %multiple_of3A_21, %mul3A_70 : i32
      %multiple_of3A_72 = tpu.assume_multiple %add3A_71, 8 : i32
      "tpu.region"() ({
        %run_scoped3A = tpu.sem_alloc : memref<!tpu.dma_semaphore, #tpu.memory_space<semaphore_mem>>
        %dma_start3A_77 = tpu.memref_slice %arg3[%multiple_of3A_72] : memref<320000xi32, #tpu.memory_space<hbm>> -> memref<80xi32, #tpu.memory_space<hbm>>
        %dma_start3A_78 = tpu.memref_slice %arg3[%multiple_of3A_72] : memref<320000xi32, #tpu.memory_space<hbm>> -> memref<80xi32, #tpu.memory_space<hbm>>
        tpu.enqueue_dma source(%dma_start3A_78 : memref<80xi32, #tpu.memory_space<hbm>>) target(%arg8 : memref<80xi32, #tpu.memory_space<vmem>>) target_semaphore(%run_scoped3A : memref<!tpu.dma_semaphore, #tpu.memory_space<semaphore_mem>>)
        %dma_wait3A_79 = tpu.memref_slice %arg3[%multiple_of3A_72] : memref<320000xi32, #tpu.memory_space<hbm>> -> memref<80xi32, #tpu.memory_space<hbm>>
        %dma_wait3A_80 = tpu.memref_slice %arg3[%multiple_of3A_72] : memref<320000xi32, #tpu.memory_space<hbm>> -> memref<80xi32, #tpu.memory_space<hbm>>
        tpu.wait_dma2 semaphore(%run_scoped3A : memref<!tpu.dma_semaphore, #tpu.memory_space<semaphore_mem>>) src(%dma_wait3A_80 : memref<80xi32, #tpu.memory_space<hbm>>) dst(%arg8 : memref<80xi32, #tpu.memory_space<vmem>>)
        tpu.yield
      }) : () -> ()
      "tpu.region"() ({
        %run_scoped3A = tpu.sem_alloc : memref<!tpu.dma_semaphore, #tpu.memory_space<semaphore_mem>>
        %dma_start3A_77 = tpu.memref_slice %arg4[%multiple_of3A_72] : memref<320000xi32, #tpu.memory_space<hbm>> -> memref<80xi32, #tpu.memory_space<hbm>>
        %dma_start3A_78 = tpu.memref_slice %arg4[%multiple_of3A_72] : memref<320000xi32, #tpu.memory_space<hbm>> -> memref<80xi32, #tpu.memory_space<hbm>>
        tpu.enqueue_dma source(%dma_start3A_78 : memref<80xi32, #tpu.memory_space<hbm>>) target(%arg9 : memref<80xi32, #tpu.memory_space<vmem>>) target_semaphore(%run_scoped3A : memref<!tpu.dma_semaphore, #tpu.memory_space<semaphore_mem>>)
        %dma_wait3A_79 = tpu.memref_slice %arg4[%multiple_of3A_72] : memref<320000xi32, #tpu.memory_space<hbm>> -> memref<80xi32, #tpu.memory_space<hbm>>
        %dma_wait3A_80 = tpu.memref_slice %arg4[%multiple_of3A_72] : memref<320000xi32, #tpu.memory_space<hbm>> -> memref<80xi32, #tpu.memory_space<hbm>>
        tpu.wait_dma2 semaphore(%run_scoped3A : memref<!tpu.dma_semaphore, #tpu.memory_space<semaphore_mem>>) src(%dma_wait3A_80 : memref<80xi32, #tpu.memory_space<hbm>>) dst(%arg9 : memref<80xi32, #tpu.memory_space<vmem>>)
        tpu.yield
      }) : () -> ()
      %dma_start3A = arith.constant 0 : i32
      %dma_start3A_73 = arith.constant 0 : i32
      %dma_start3A_74 = tpu.memref_slice %arg2[%dma_start3A, %dma_start3A_73] : memref<10000x128xf32, #tpu.memory_space<hbm>> -> memref<10000x128xf32, #tpu.memory_space<hbm>>
      tpu.enqueue_indirect_dma source(%dma_start3A_74 : memref<10000x128xf32, #tpu.memory_space<hbm>>) target(%arg10 : memref<80x128xf32, #tpu.memory_space<vmem>>) offsets(%arg8 : memref<80xi32, #tpu.memory_space<vmem>>) semaphore(%arg11 : memref<!tpu.dma_semaphore, #tpu.memory_space<semaphore_mem>>)
      %dma_wait3A = arith.constant 0 : i32
      %dma_wait3A_75 = arith.constant 0 : i32
      %dma_wait3A_76 = tpu.memref_slice %arg2[%dma_wait3A, %dma_wait3A_75] : memref<10000x128xf32, #tpu.memory_space<hbm>> -> memref<10000x128xf32, #tpu.memory_space<hbm>>
      tpu.wait_indirect_dma semaphore(%arg11 : memref<!tpu.dma_semaphore, #tpu.memory_space<semaphore_mem>>) src(%dma_wait3A_76 : memref<10000x128xf32, #tpu.memory_space<hbm>>) dst(%arg10 : memref<80x128xf32, #tpu.memory_space<vmem>>)
      "tpu.region"() ({
        %run_scoped3A = tpu.sem_alloc : memref<!tpu.dma_semaphore, #tpu.memory_space<semaphore_mem>>
        %dma_start3A_77 = arith.constant 0 : i32
        %dma_start3A_78 = arith.constant 0 : i32
        %dma_start3A_79 = tpu.memref_slice %arg7[%dma_start3A_77, %dma_start3A_78] : memref<10240x128xf32, #tpu.memory_space<vmem_shared>> -> memref<10240x128xf32, #tpu.memory_space<vmem_shared>>
        tpu.enqueue_indirect_dma source(%arg10 : memref<80x128xf32, #tpu.memory_space<vmem>>) target(%dma_start3A_79 : memref<10240x128xf32, #tpu.memory_space<vmem_shared>>) offsets(%arg9 : memref<80xi32, #tpu.memory_space<vmem>>) semaphore(%run_scoped3A : memref<!tpu.dma_semaphore, #tpu.memory_space<semaphore_mem>>) {add = true}
        %dma_wait3A_80 = arith.constant 0 : i32
        %dma_wait3A_81 = arith.constant 0 : i32
        %dma_wait3A_82 = tpu.memref_slice %arg7[%dma_wait3A_80, %dma_wait3A_81] : memref<10240x128xf32, #tpu.memory_space<vmem_shared>> -> memref<10240x128xf32, #tpu.memory_space<vmem_shared>>
        tpu.wait_indirect_dma semaphore(%run_scoped3A : memref<!tpu.dma_semaphore, #tpu.memory_space<semaphore_mem>>) src(%arg10 : memref<80x128xf32, #tpu.memory_space<vmem>>) dst(%dma_wait3A_82 : memref<10240x128xf32, #tpu.memory_space<vmem_shared>>)
        tpu.yield
      }) : () -> ()
    }
    %scan3A_25 = arith.constant 125 : i32
    %barrier3A_26 = arith.constant 0 : index
    tpu.barrier barrier_id(%barrier3A_26)
    %mul3A_27 = arith.constant 10240 : i32
    %mul3A_28 = arith.muli %arg0, %mul3A_27 : i32
    %mul3A_29 = arith.constant 640 : i32
    %mul3A_30 = arith.muli %arg1, %mul3A_29 : i32
    %add3A_31 = arith.addi %mul3A_28, %mul3A_30 : i32
    %add3A_32 = arith.constant 0 : i32
    %add3A_33 = arith.addi %multiple_of3A, %add3A_32 : i32
    "tpu.region"() ({
      %run_scoped3A = tpu.sem_alloc : memref<!tpu.dma_semaphore, #tpu.memory_space<semaphore_mem>>
      %dma_start3A = arith.constant 0 : i32
      %dma_start3A_64 = tpu.memref_slice %arg7[%add3A_33, %dma_start3A] : memref<10240x128xf32, #tpu.memory_space<vmem_shared>> -> memref<80x128xf32, #tpu.memory_space<vmem_shared>>
      %dma_start3A_65 = arith.constant 0 : i32
      %dma_start3A_66 = tpu.memref_slice %arg7[%add3A_33, %dma_start3A_65] : memref<10240x128xf32, #tpu.memory_space<vmem_shared>> -> memref<80x128xf32, #tpu.memory_space<vmem_shared>>
      tpu.enqueue_dma source(%dma_start3A_66 : memref<80x128xf32, #tpu.memory_space<vmem_shared>>) target(%arg10 : memref<80x128xf32, #tpu.memory_space<vmem>>) target_semaphore(%run_scoped3A : memref<!tpu.dma_semaphore, #tpu.memory_space<semaphore_mem>>)
      %dma_wait3A = arith.constant 0 : i32
      %dma_wait3A_67 = tpu.memref_slice %arg7[%add3A_33, %dma_wait3A] : memref<10240x128xf32, #tpu.memory_space<vmem_shared>> -> memref<80x128xf32, #tpu.memory_space<vmem_shared>>
      %dma_wait3A_68 = arith.constant 0 : i32
      %dma_wait3A_69 = tpu.memref_slice %arg7[%add3A_33, %dma_wait3A_68] : memref<10240x128xf32, #tpu.memory_space<vmem_shared>> -> memref<80x128xf32, #tpu.memory_space<vmem_shared>>
      tpu.wait_dma2 semaphore(%run_scoped3A : memref<!tpu.dma_semaphore, #tpu.memory_space<semaphore_mem>>) src(%dma_wait3A_69 : memref<80x128xf32, #tpu.memory_space<vmem_shared>>) dst(%arg10 : memref<80x128xf32, #tpu.memory_space<vmem>>)
      tpu.yield
    }) : () -> ()
    %add3A_34 = arith.constant 0 : i32
    %add3A_35 = arith.addi %add3A_31, %add3A_34 : i32
    "tpu.region"() ({
      %run_scoped3A = tpu.sem_alloc : memref<!tpu.dma_semaphore, #tpu.memory_space<semaphore_mem>>
      %dma_start3A = arith.constant 0 : i32
      %dma_start3A_64 = tpu.memref_slice %arg6[%add3A_35, %dma_start3A] : memref<20480x128xf32, #tpu.memory_space<hbm>> -> memref<80x128xf32, #tpu.memory_space<hbm>>
      %dma_start3A_65 = arith.constant 0 : i32
      %dma_start3A_66 = tpu.memref_slice %arg6[%add3A_35, %dma_start3A_65] : memref<20480x128xf32, #tpu.memory_space<hbm>> -> memref<80x128xf32, #tpu.memory_space<hbm>>
      tpu.enqueue_dma source(%arg10 : memref<80x128xf32, #tpu.memory_space<vmem>>) target(%dma_start3A_66 : memref<80x128xf32, #tpu.memory_space<hbm>>) target_semaphore(%run_scoped3A : memref<!tpu.dma_semaphore, #tpu.memory_space<semaphore_mem>>)
      %dma_wait3A = arith.constant 0 : i32
      %dma_wait3A_67 = tpu.memref_slice %arg6[%add3A_35, %dma_wait3A] : memref<20480x128xf32, #tpu.memory_space<hbm>> -> memref<80x128xf32, #tpu.memory_space<hbm>>
      %dma_wait3A_68 = arith.constant 0 : i32
      %dma_wait3A_69 = tpu.memref_slice %arg6[%add3A_35, %dma_wait3A_68] : memref<20480x128xf32, #tpu.memory_space<hbm>> -> memref<80x128xf32, #tpu.memory_space<hbm>>
      tpu.wait_dma2 semaphore(%run_scoped3A : memref<!tpu.dma_semaphore, #tpu.memory_space<semaphore_mem>>) src(%arg10 : memref<80x128xf32, #tpu.memory_space<vmem>>) dst(%dma_wait3A_69 : memref<80x128xf32, #tpu.memory_space<hbm>>)
      tpu.yield
    }) : () -> ()
    %add3A_36 = arith.constant 80 : i32
    %add3A_37 = arith.addi %multiple_of3A, %add3A_36 : i32
    "tpu.region"() ({
      %run_scoped3A = tpu.sem_alloc : memref<!tpu.dma_semaphore, #tpu.memory_space<semaphore_mem>>
      %dma_start3A = arith.constant 0 : i32
      %dma_start3A_64 = tpu.memref_slice %arg7[%add3A_37, %dma_start3A] : memref<10240x128xf32, #tpu.memory_space<vmem_shared>> -> memref<80x128xf32, #tpu.memory_space<vmem_shared>>
      %dma_start3A_65 = arith.constant 0 : i32
      %dma_start3A_66 = tpu.memref_slice %arg7[%add3A_37, %dma_start3A_65] : memref<10240x128xf32, #tpu.memory_space<vmem_shared>> -> memref<80x128xf32, #tpu.memory_space<vmem_shared>>
      tpu.enqueue_dma source(%dma_start3A_66 : memref<80x128xf32, #tpu.memory_space<vmem_shared>>) target(%arg10 : memref<80x128xf32, #tpu.memory_space<vmem>>) target_semaphore(%run_scoped3A : memref<!tpu.dma_semaphore, #tpu.memory_space<semaphore_mem>>)
      %dma_wait3A = arith.constant 0 : i32
      %dma_wait3A_67 = tpu.memref_slice %arg7[%add3A_37, %dma_wait3A] : memref<10240x128xf32, #tpu.memory_space<vmem_shared>> -> memref<80x128xf32, #tpu.memory_space<vmem_shared>>
      %dma_wait3A_68 = arith.constant 0 : i32
      %dma_wait3A_69 = tpu.memref_slice %arg7[%add3A_37, %dma_wait3A_68] : memref<10240x128xf32, #tpu.memory_space<vmem_shared>> -> memref<80x128xf32, #tpu.memory_space<vmem_shared>>
      tpu.wait_dma2 semaphore(%run_scoped3A : memref<!tpu.dma_semaphore, #tpu.memory_space<semaphore_mem>>) src(%dma_wait3A_69 : memref<80x128xf32, #tpu.memory_space<vmem_shared>>) dst(%arg10 : memref<80x128xf32, #tpu.memory_space<vmem>>)
      tpu.yield
    }) : () -> ()
    %add3A_38 = arith.constant 80 : i32
    %add3A_39 = arith.addi %add3A_31, %add3A_38 : i32
    "tpu.region"() ({
      %run_scoped3A = tpu.sem_alloc : memref<!tpu.dma_semaphore, #tpu.memory_space<semaphore_mem>>
      %dma_start3A = arith.constant 0 : i32
      %dma_start3A_64 = tpu.memref_slice %arg6[%add3A_39, %dma_start3A] : memref<20480x128xf32, #tpu.memory_space<hbm>> -> memref<80x128xf32, #tpu.memory_space<hbm>>
      %dma_start3A_65 = arith.constant 0 : i32
      %dma_start3A_66 = tpu.memref_slice %arg6[%add3A_39, %dma_start3A_65] : memref<20480x128xf32, #tpu.memory_space<hbm>> -> memref<80x128xf32, #tpu.memory_space<hbm>>
      tpu.enqueue_dma source(%arg10 : memref<80x128xf32, #tpu.memory_space<vmem>>) target(%dma_start3A_66 : memref<80x128xf32, #tpu.memory_space<hbm>>) target_semaphore(%run_scoped3A : memref<!tpu.dma_semaphore, #tpu.memory_space<semaphore_mem>>)
      %dma_wait3A = arith.constant 0 : i32
      %dma_wait3A_67 = tpu.memref_slice %arg6[%add3A_39, %dma_wait3A] : memref<20480x128xf32, #tpu.memory_space<hbm>> -> memref<80x128xf32, #tpu.memory_space<hbm>>
      %dma_wait3A_68 = arith.constant 0 : i32
      %dma_wait3A_69 = tpu.memref_slice %arg6[%add3A_39, %dma_wait3A_68] : memref<20480x128xf32, #tpu.memory_space<hbm>> -> memref<80x128xf32, #tpu.memory_space<hbm>>
      tpu.wait_dma2 semaphore(%run_scoped3A : memref<!tpu.dma_semaphore, #tpu.memory_space<semaphore_mem>>) src(%arg10 : memref<80x128xf32, #tpu.memory_space<vmem>>) dst(%dma_wait3A_69 : memref<80x128xf32, #tpu.memory_space<hbm>>)
      tpu.yield
    }) : () -> ()
    %add3A_40 = arith.constant 160 : i32
    %add3A_41 = arith.addi %multiple_of3A, %add3A_40 : i32
    "tpu.region"() ({
      %run_scoped3A = tpu.sem_alloc : memref<!tpu.dma_semaphore, #tpu.memory_space<semaphore_mem>>
      %dma_start3A = arith.constant 0 : i32
      %dma_start3A_64 = tpu.memref_slice %arg7[%add3A_41, %dma_start3A] : memref<10240x128xf32, #tpu.memory_space<vmem_shared>> -> memref<80x128xf32, #tpu.memory_space<vmem_shared>>
      %dma_start3A_65 = arith.constant 0 : i32
      %dma_start3A_66 = tpu.memref_slice %arg7[%add3A_41, %dma_start3A_65] : memref<10240x128xf32, #tpu.memory_space<vmem_shared>> -> memref<80x128xf32, #tpu.memory_space<vmem_shared>>
      tpu.enqueue_dma source(%dma_start3A_66 : memref<80x128xf32, #tpu.memory_space<vmem_shared>>) target(%arg10 : memref<80x128xf32, #tpu.memory_space<vmem>>) target_semaphore(%run_scoped3A : memref<!tpu.dma_semaphore, #tpu.memory_space<semaphore_mem>>)
      %dma_wait3A = arith.constant 0 : i32
      %dma_wait3A_67 = tpu.memref_slice %arg7[%add3A_41, %dma_wait3A] : memref<10240x128xf32, #tpu.memory_space<vmem_shared>> -> memref<80x128xf32, #tpu.memory_space<vmem_shared>>
      %dma_wait3A_68 = arith.constant 0 : i32
      %dma_wait3A_69 = tpu.memref_slice %arg7[%add3A_41, %dma_wait3A_68] : memref<10240x128xf32, #tpu.memory_space<vmem_shared>> -> memref<80x128xf32, #tpu.memory_space<vmem_shared>>
      tpu.wait_dma2 semaphore(%run_scoped3A : memref<!tpu.dma_semaphore, #tpu.memory_space<semaphore_mem>>) src(%dma_wait3A_69 : memref<80x128xf32, #tpu.memory_space<vmem_shared>>) dst(%arg10 : memref<80x128xf32, #tpu.memory_space<vmem>>)
      tpu.yield
    }) : () -> ()
    %add3A_42 = arith.constant 160 : i32
    %add3A_43 = arith.addi %add3A_31, %add3A_42 : i32
    "tpu.region"() ({
      %run_scoped3A = tpu.sem_alloc : memref<!tpu.dma_semaphore, #tpu.memory_space<semaphore_mem>>
      %dma_start3A = arith.constant 0 : i32
      %dma_start3A_64 = tpu.memref_slice %arg6[%add3A_43, %dma_start3A] : memref<20480x128xf32, #tpu.memory_space<hbm>> -> memref<80x128xf32, #tpu.memory_space<hbm>>
      %dma_start3A_65 = arith.constant 0 : i32
      %dma_start3A_66 = tpu.memref_slice %arg6[%add3A_43, %dma_start3A_65] : memref<20480x128xf32, #tpu.memory_space<hbm>> -> memref<80x128xf32, #tpu.memory_space<hbm>>
      tpu.enqueue_dma source(%arg10 : memref<80x128xf32, #tpu.memory_space<vmem>>) target(%dma_start3A_66 : memref<80x128xf32, #tpu.memory_space<hbm>>) target_semaphore(%run_scoped3A : memref<!tpu.dma_semaphore, #tpu.memory_space<semaphore_mem>>)
      %dma_wait3A = arith.constant 0 : i32
      %dma_wait3A_67 = tpu.memref_slice %arg6[%add3A_43, %dma_wait3A] : memref<20480x128xf32, #tpu.memory_space<hbm>> -> memref<80x128xf32, #tpu.memory_space<hbm>>
      %dma_wait3A_68 = arith.constant 0 : i32
      %dma_wait3A_69 = tpu.memref_slice %arg6[%add3A_43, %dma_wait3A_68] : memref<20480x128xf32, #tpu.memory_space<hbm>> -> memref<80x128xf32, #tpu.memory_space<hbm>>
      tpu.wait_dma2 semaphore(%run_scoped3A : memref<!tpu.dma_semaphore, #tpu.memory_space<semaphore_mem>>) src(%arg10 : memref<80x128xf32, #tpu.memory_space<vmem>>) dst(%dma_wait3A_69 : memref<80x128xf32, #tpu.memory_space<hbm>>)
      tpu.yield
    }) : () -> ()
    %add3A_44 = arith.constant 240 : i32
    %add3A_45 = arith.addi %multiple_of3A, %add3A_44 : i32
    "tpu.region"() ({
      %run_scoped3A = tpu.sem_alloc : memref<!tpu.dma_semaphore, #tpu.memory_space<semaphore_mem>>
      %dma_start3A = arith.constant 0 : i32
      %dma_start3A_64 = tpu.memref_slice %arg7[%add3A_45, %dma_start3A] : memref<10240x128xf32, #tpu.memory_space<vmem_shared>> -> memref<80x128xf32, #tpu.memory_space<vmem_shared>>
      %dma_start3A_65 = arith.constant 0 : i32
      %dma_start3A_66 = tpu.memref_slice %arg7[%add3A_45, %dma_start3A_65] : memref<10240x128xf32, #tpu.memory_space<vmem_shared>> -> memref<80x128xf32, #tpu.memory_space<vmem_shared>>
      tpu.enqueue_dma source(%dma_start3A_66 : memref<80x128xf32, #tpu.memory_space<vmem_shared>>) target(%arg10 : memref<80x128xf32, #tpu.memory_space<vmem>>) target_semaphore(%run_scoped3A : memref<!tpu.dma_semaphore, #tpu.memory_space<semaphore_mem>>)
      %dma_wait3A = arith.constant 0 : i32
      %dma_wait3A_67 = tpu.memref_slice %arg7[%add3A_45, %dma_wait3A] : memref<10240x128xf32, #tpu.memory_space<vmem_shared>> -> memref<80x128xf32, #tpu.memory_space<vmem_shared>>
      %dma_wait3A_68 = arith.constant 0 : i32
      %dma_wait3A_69 = tpu.memref_slice %arg7[%add3A_45, %dma_wait3A_68] : memref<10240x128xf32, #tpu.memory_space<vmem_shared>> -> memref<80x128xf32, #tpu.memory_space<vmem_shared>>
      tpu.wait_dma2 semaphore(%run_scoped3A : memref<!tpu.dma_semaphore, #tpu.memory_space<semaphore_mem>>) src(%dma_wait3A_69 : memref<80x128xf32, #tpu.memory_space<vmem_shared>>) dst(%arg10 : memref<80x128xf32, #tpu.memory_space<vmem>>)
      tpu.yield
    }) : () -> ()
    %add3A_46 = arith.constant 240 : i32
    %add3A_47 = arith.addi %add3A_31, %add3A_46 : i32
    "tpu.region"() ({
      %run_scoped3A = tpu.sem_alloc : memref<!tpu.dma_semaphore, #tpu.memory_space<semaphore_mem>>
      %dma_start3A = arith.constant 0 : i32
      %dma_start3A_64 = tpu.memref_slice %arg6[%add3A_47, %dma_start3A] : memref<20480x128xf32, #tpu.memory_space<hbm>> -> memref<80x128xf32, #tpu.memory_space<hbm>>
      %dma_start3A_65 = arith.constant 0 : i32
      %dma_start3A_66 = tpu.memref_slice %arg6[%add3A_47, %dma_start3A_65] : memref<20480x128xf32, #tpu.memory_space<hbm>> -> memref<80x128xf32, #tpu.memory_space<hbm>>
      tpu.enqueue_dma source(%arg10 : memref<80x128xf32, #tpu.memory_space<vmem>>) target(%dma_start3A_66 : memref<80x128xf32, #tpu.memory_space<hbm>>) target_semaphore(%run_scoped3A : memref<!tpu.dma_semaphore, #tpu.memory_space<semaphore_mem>>)
      %dma_wait3A = arith.constant 0 : i32
      %dma_wait3A_67 = tpu.memref_slice %arg6[%add3A_47, %dma_wait3A] : memref<20480x128xf32, #tpu.memory_space<hbm>> -> memref<80x128xf32, #tpu.memory_space<hbm>>
      %dma_wait3A_68 = arith.constant 0 : i32
      %dma_wait3A_69 = tpu.memref_slice %arg6[%add3A_47, %dma_wait3A_68] : memref<20480x128xf32, #tpu.memory_space<hbm>> -> memref<80x128xf32, #tpu.memory_space<hbm>>
      tpu.wait_dma2 semaphore(%run_scoped3A : memref<!tpu.dma_semaphore, #tpu.memory_space<semaphore_mem>>) src(%arg10 : memref<80x128xf32, #tpu.memory_space<vmem>>) dst(%dma_wait3A_69 : memref<80x128xf32, #tpu.memory_space<hbm>>)
      tpu.yield
    }) : () -> ()
    %add3A_48 = arith.constant 320 : i32
    %add3A_49 = arith.addi %multiple_of3A, %add3A_48 : i32
    "tpu.region"() ({
      %run_scoped3A = tpu.sem_alloc : memref<!tpu.dma_semaphore, #tpu.memory_space<semaphore_mem>>
      %dma_start3A = arith.constant 0 : i32
      %dma_start3A_64 = tpu.memref_slice %arg7[%add3A_49, %dma_start3A] : memref<10240x128xf32, #tpu.memory_space<vmem_shared>> -> memref<80x128xf32, #tpu.memory_space<vmem_shared>>
      %dma_start3A_65 = arith.constant 0 : i32
      %dma_start3A_66 = tpu.memref_slice %arg7[%add3A_49, %dma_start3A_65] : memref<10240x128xf32, #tpu.memory_space<vmem_shared>> -> memref<80x128xf32, #tpu.memory_space<vmem_shared>>
      tpu.enqueue_dma source(%dma_start3A_66 : memref<80x128xf32, #tpu.memory_space<vmem_shared>>) target(%arg10 : memref<80x128xf32, #tpu.memory_space<vmem>>) target_semaphore(%run_scoped3A : memref<!tpu.dma_semaphore, #tpu.memory_space<semaphore_mem>>)
      %dma_wait3A = arith.constant 0 : i32
      %dma_wait3A_67 = tpu.memref_slice %arg7[%add3A_49, %dma_wait3A] : memref<10240x128xf32, #tpu.memory_space<vmem_shared>> -> memref<80x128xf32, #tpu.memory_space<vmem_shared>>
      %dma_wait3A_68 = arith.constant 0 : i32
      %dma_wait3A_69 = tpu.memref_slice %arg7[%add3A_49, %dma_wait3A_68] : memref<10240x128xf32, #tpu.memory_space<vmem_shared>> -> memref<80x128xf32, #tpu.memory_space<vmem_shared>>
      tpu.wait_dma2 semaphore(%run_scoped3A : memref<!tpu.dma_semaphore, #tpu.memory_space<semaphore_mem>>) src(%dma_wait3A_69 : memref<80x128xf32, #tpu.memory_space<vmem_shared>>) dst(%arg10 : memref<80x128xf32, #tpu.memory_space<vmem>>)
      tpu.yield
    }) : () -> ()
    %add3A_50 = arith.constant 320 : i32
    %add3A_51 = arith.addi %add3A_31, %add3A_50 : i32
    "tpu.region"() ({
      %run_scoped3A = tpu.sem_alloc : memref<!tpu.dma_semaphore, #tpu.memory_space<semaphore_mem>>
      %dma_start3A = arith.constant 0 : i32
      %dma_start3A_64 = tpu.memref_slice %arg6[%add3A_51, %dma_start3A] : memref<20480x128xf32, #tpu.memory_space<hbm>> -> memref<80x128xf32, #tpu.memory_space<hbm>>
      %dma_start3A_65 = arith.constant 0 : i32
      %dma_start3A_66 = tpu.memref_slice %arg6[%add3A_51, %dma_start3A_65] : memref<20480x128xf32, #tpu.memory_space<hbm>> -> memref<80x128xf32, #tpu.memory_space<hbm>>
      tpu.enqueue_dma source(%arg10 : memref<80x128xf32, #tpu.memory_space<vmem>>) target(%dma_start3A_66 : memref<80x128xf32, #tpu.memory_space<hbm>>) target_semaphore(%run_scoped3A : memref<!tpu.dma_semaphore, #tpu.memory_space<semaphore_mem>>)
      %dma_wait3A = arith.constant 0 : i32
      %dma_wait3A_67 = tpu.memref_slice %arg6[%add3A_51, %dma_wait3A] : memref<20480x128xf32, #tpu.memory_space<hbm>> -> memref<80x128xf32, #tpu.memory_space<hbm>>
      %dma_wait3A_68 = arith.constant 0 : i32
      %dma_wait3A_69 = tpu.memref_slice %arg6[%add3A_51, %dma_wait3A_68] : memref<20480x128xf32, #tpu.memory_space<hbm>> -> memref<80x128xf32, #tpu.memory_space<hbm>>
      tpu.wait_dma2 semaphore(%run_scoped3A : memref<!tpu.dma_semaphore, #tpu.memory_space<semaphore_mem>>) src(%arg10 : memref<80x128xf32, #tpu.memory_space<vmem>>) dst(%dma_wait3A_69 : memref<80x128xf32, #tpu.memory_space<hbm>>)
      tpu.yield
    }) : () -> ()
    %add3A_52 = arith.constant 400 : i32
    %add3A_53 = arith.addi %multiple_of3A, %add3A_52 : i32
    "tpu.region"() ({
      %run_scoped3A = tpu.sem_alloc : memref<!tpu.dma_semaphore, #tpu.memory_space<semaphore_mem>>
      %dma_start3A = arith.constant 0 : i32
      %dma_start3A_64 = tpu.memref_slice %arg7[%add3A_53, %dma_start3A] : memref<10240x128xf32, #tpu.memory_space<vmem_shared>> -> memref<80x128xf32, #tpu.memory_space<vmem_shared>>
      %dma_start3A_65 = arith.constant 0 : i32
      %dma_start3A_66 = tpu.memref_slice %arg7[%add3A_53, %dma_start3A_65] : memref<10240x128xf32, #tpu.memory_space<vmem_shared>> -> memref<80x128xf32, #tpu.memory_space<vmem_shared>>
      tpu.enqueue_dma source(%dma_start3A_66 : memref<80x128xf32, #tpu.memory_space<vmem_shared>>) target(%arg10 : memref<80x128xf32, #tpu.memory_space<vmem>>) target_semaphore(%run_scoped3A : memref<!tpu.dma_semaphore, #tpu.memory_space<semaphore_mem>>)
      %dma_wait3A = arith.constant 0 : i32
      %dma_wait3A_67 = tpu.memref_slice %arg7[%add3A_53, %dma_wait3A] : memref<10240x128xf32, #tpu.memory_space<vmem_shared>> -> memref<80x128xf32, #tpu.memory_space<vmem_shared>>
      %dma_wait3A_68 = arith.constant 0 : i32
      %dma_wait3A_69 = tpu.memref_slice %arg7[%add3A_53, %dma_wait3A_68] : memref<10240x128xf32, #tpu.memory_space<vmem_shared>> -> memref<80x128xf32, #tpu.memory_space<vmem_shared>>
      tpu.wait_dma2 semaphore(%run_scoped3A : memref<!tpu.dma_semaphore, #tpu.memory_space<semaphore_mem>>) src(%dma_wait3A_69 : memref<80x128xf32, #tpu.memory_space<vmem_shared>>) dst(%arg10 : memref<80x128xf32, #tpu.memory_space<vmem>>)
      tpu.yield
    }) : () -> ()
    %add3A_54 = arith.constant 400 : i32
    %add3A_55 = arith.addi %add3A_31, %add3A_54 : i32
    "tpu.region"() ({
      %run_scoped3A = tpu.sem_alloc : memref<!tpu.dma_semaphore, #tpu.memory_space<semaphore_mem>>
      %dma_start3A = arith.constant 0 : i32
      %dma_start3A_64 = tpu.memref_slice %arg6[%add3A_55, %dma_start3A] : memref<20480x128xf32, #tpu.memory_space<hbm>> -> memref<80x128xf32, #tpu.memory_space<hbm>>
      %dma_start3A_65 = arith.constant 0 : i32
      %dma_start3A_66 = tpu.memref_slice %arg6[%add3A_55, %dma_start3A_65] : memref<20480x128xf32, #tpu.memory_space<hbm>> -> memref<80x128xf32, #tpu.memory_space<hbm>>
      tpu.enqueue_dma source(%arg10 : memref<80x128xf32, #tpu.memory_space<vmem>>) target(%dma_start3A_66 : memref<80x128xf32, #tpu.memory_space<hbm>>) target_semaphore(%run_scoped3A : memref<!tpu.dma_semaphore, #tpu.memory_space<semaphore_mem>>)
      %dma_wait3A = arith.constant 0 : i32
      %dma_wait3A_67 = tpu.memref_slice %arg6[%add3A_55, %dma_wait3A] : memref<20480x128xf32, #tpu.memory_space<hbm>> -> memref<80x128xf32, #tpu.memory_space<hbm>>
      %dma_wait3A_68 = arith.constant 0 : i32
      %dma_wait3A_69 = tpu.memref_slice %arg6[%add3A_55, %dma_wait3A_68] : memref<20480x128xf32, #tpu.memory_space<hbm>> -> memref<80x128xf32, #tpu.memory_space<hbm>>
      tpu.wait_dma2 semaphore(%run_scoped3A : memref<!tpu.dma_semaphore, #tpu.memory_space<semaphore_mem>>) src(%arg10 : memref<80x128xf32, #tpu.memory_space<vmem>>) dst(%dma_wait3A_69 : memref<80x128xf32, #tpu.memory_space<hbm>>)
      tpu.yield
    }) : () -> ()
    %add3A_56 = arith.constant 480 : i32
    %add3A_57 = arith.addi %multiple_of3A, %add3A_56 : i32
    "tpu.region"() ({
      %run_scoped3A = tpu.sem_alloc : memref<!tpu.dma_semaphore, #tpu.memory_space<semaphore_mem>>
      %dma_start3A = arith.constant 0 : i32
      %dma_start3A_64 = tpu.memref_slice %arg7[%add3A_57, %dma_start3A] : memref<10240x128xf32, #tpu.memory_space<vmem_shared>> -> memref<80x128xf32, #tpu.memory_space<vmem_shared>>
      %dma_start3A_65 = arith.constant 0 : i32
      %dma_start3A_66 = tpu.memref_slice %arg7[%add3A_57, %dma_start3A_65] : memref<10240x128xf32, #tpu.memory_space<vmem_shared>> -> memref<80x128xf32, #tpu.memory_space<vmem_shared>>
      tpu.enqueue_dma source(%dma_start3A_66 : memref<80x128xf32, #tpu.memory_space<vmem_shared>>) target(%arg10 : memref<80x128xf32, #tpu.memory_space<vmem>>) target_semaphore(%run_scoped3A : memref<!tpu.dma_semaphore, #tpu.memory_space<semaphore_mem>>)
      %dma_wait3A = arith.constant 0 : i32
      %dma_wait3A_67 = tpu.memref_slice %arg7[%add3A_57, %dma_wait3A] : memref<10240x128xf32, #tpu.memory_space<vmem_shared>> -> memref<80x128xf32, #tpu.memory_space<vmem_shared>>
      %dma_wait3A_68 = arith.constant 0 : i32
      %dma_wait3A_69 = tpu.memref_slice %arg7[%add3A_57, %dma_wait3A_68] : memref<10240x128xf32, #tpu.memory_space<vmem_shared>> -> memref<80x128xf32, #tpu.memory_space<vmem_shared>>
      tpu.wait_dma2 semaphore(%run_scoped3A : memref<!tpu.dma_semaphore, #tpu.memory_space<semaphore_mem>>) src(%dma_wait3A_69 : memref<80x128xf32, #tpu.memory_space<vmem_shared>>) dst(%arg10 : memref<80x128xf32, #tpu.memory_space<vmem>>)
      tpu.yield
    }) : () -> ()
    %add3A_58 = arith.constant 480 : i32
    %add3A_59 = arith.addi %add3A_31, %add3A_58 : i32
    "tpu.region"() ({
      %run_scoped3A = tpu.sem_alloc : memref<!tpu.dma_semaphore, #tpu.memory_space<semaphore_mem>>
      %dma_start3A = arith.constant 0 : i32
      %dma_start3A_64 = tpu.memref_slice %arg6[%add3A_59, %dma_start3A] : memref<20480x128xf32, #tpu.memory_space<hbm>> -> memref<80x128xf32, #tpu.memory_space<hbm>>
      %dma_start3A_65 = arith.constant 0 : i32
      %dma_start3A_66 = tpu.memref_slice %arg6[%add3A_59, %dma_start3A_65] : memref<20480x128xf32, #tpu.memory_space<hbm>> -> memref<80x128xf32, #tpu.memory_space<hbm>>
      tpu.enqueue_dma source(%arg10 : memref<80x128xf32, #tpu.memory_space<vmem>>) target(%dma_start3A_66 : memref<80x128xf32, #tpu.memory_space<hbm>>) target_semaphore(%run_scoped3A : memref<!tpu.dma_semaphore, #tpu.memory_space<semaphore_mem>>)
      %dma_wait3A = arith.constant 0 : i32
      %dma_wait3A_67 = tpu.memref_slice %arg6[%add3A_59, %dma_wait3A] : memref<20480x128xf32, #tpu.memory_space<hbm>> -> memref<80x128xf32, #tpu.memory_space<hbm>>
      %dma_wait3A_68 = arith.constant 0 : i32
      %dma_wait3A_69 = tpu.memref_slice %arg6[%add3A_59, %dma_wait3A_68] : memref<20480x128xf32, #tpu.memory_space<hbm>> -> memref<80x128xf32, #tpu.memory_space<hbm>>
      tpu.wait_dma2 semaphore(%run_scoped3A : memref<!tpu.dma_semaphore, #tpu.memory_space<semaphore_mem>>) src(%arg10 : memref<80x128xf32, #tpu.memory_space<vmem>>) dst(%dma_wait3A_69 : memref<80x128xf32, #tpu.memory_space<hbm>>)
      tpu.yield
    }) : () -> ()
    %add3A_60 = arith.constant 560 : i32
    %add3A_61 = arith.addi %multiple_of3A, %add3A_60 : i32
    "tpu.region"() ({
      %run_scoped3A = tpu.sem_alloc : memref<!tpu.dma_semaphore, #tpu.memory_space<semaphore_mem>>
      %dma_start3A = arith.constant 0 : i32
      %dma_start3A_64 = tpu.memref_slice %arg7[%add3A_61, %dma_start3A] : memref<10240x128xf32, #tpu.memory_space<vmem_shared>> -> memref<80x128xf32, #tpu.memory_space<vmem_shared>>
      %dma_start3A_65 = arith.constant 0 : i32
      %dma_start3A_66 = tpu.memref_slice %arg7[%add3A_61, %dma_start3A_65] : memref<10240x128xf32, #tpu.memory_space<vmem_shared>> -> memref<80x128xf32, #tpu.memory_space<vmem_shared>>
      tpu.enqueue_dma source(%dma_start3A_66 : memref<80x128xf32, #tpu.memory_space<vmem_shared>>) target(%arg10 : memref<80x128xf32, #tpu.memory_space<vmem>>) target_semaphore(%run_scoped3A : memref<!tpu.dma_semaphore, #tpu.memory_space<semaphore_mem>>)
      %dma_wait3A = arith.constant 0 : i32
      %dma_wait3A_67 = tpu.memref_slice %arg7[%add3A_61, %dma_wait3A] : memref<10240x128xf32, #tpu.memory_space<vmem_shared>> -> memref<80x128xf32, #tpu.memory_space<vmem_shared>>
      %dma_wait3A_68 = arith.constant 0 : i32
      %dma_wait3A_69 = tpu.memref_slice %arg7[%add3A_61, %dma_wait3A_68] : memref<10240x128xf32, #tpu.memory_space<vmem_shared>> -> memref<80x128xf32, #tpu.memory_space<vmem_shared>>
      tpu.wait_dma2 semaphore(%run_scoped3A : memref<!tpu.dma_semaphore, #tpu.memory_space<semaphore_mem>>) src(%dma_wait3A_69 : memref<80x128xf32, #tpu.memory_space<vmem_shared>>) dst(%arg10 : memref<80x128xf32, #tpu.memory_space<vmem>>)
      tpu.yield
    }) : () -> ()
    %add3A_62 = arith.constant 560 : i32
    %add3A_63 = arith.addi %add3A_31, %add3A_62 : i32
    "tpu.region"() ({
      %run_scoped3A = tpu.sem_alloc : memref<!tpu.dma_semaphore, #tpu.memory_space<semaphore_mem>>
      %dma_start3A = arith.constant 0 : i32
      %dma_start3A_64 = tpu.memref_slice %arg6[%add3A_63, %dma_start3A] : memref<20480x128xf32, #tpu.memory_space<hbm>> -> memref<80x128xf32, #tpu.memory_space<hbm>>
      %dma_start3A_65 = arith.constant 0 : i32
      %dma_start3A_66 = tpu.memref_slice %arg6[%add3A_63, %dma_start3A_65] : memref<20480x128xf32, #tpu.memory_space<hbm>> -> memref<80x128xf32, #tpu.memory_space<hbm>>
      tpu.enqueue_dma source(%arg10 : memref<80x128xf32, #tpu.memory_space<vmem>>) target(%dma_start3A_66 : memref<80x128xf32, #tpu.memory_space<hbm>>) target_semaphore(%run_scoped3A : memref<!tpu.dma_semaphore, #tpu.memory_space<semaphore_mem>>)
      %dma_wait3A = arith.constant 0 : i32
      %dma_wait3A_67 = tpu.memref_slice %arg6[%add3A_63, %dma_wait3A] : memref<20480x128xf32, #tpu.memory_space<hbm>> -> memref<80x128xf32, #tpu.memory_space<hbm>>
      %dma_wait3A_68 = arith.constant 0 : i32
      %dma_wait3A_69 = tpu.memref_slice %arg6[%add3A_63, %dma_wait3A_68] : memref<20480x128xf32, #tpu.memory_space<hbm>> -> memref<80x128xf32, #tpu.memory_space<hbm>>
      tpu.wait_dma2 semaphore(%run_scoped3A : memref<!tpu.dma_semaphore, #tpu.memory_space<semaphore_mem>>) src(%arg10 : memref<80x128xf32, #tpu.memory_space<vmem>>) dst(%dma_wait3A_69 : memref<80x128xf32, #tpu.memory_space<hbm>>)
      tpu.yield
    }) : () -> ()
    return
  }
}

module attributes {stable_mosaic.version = 14 : i64} {
  func.func @_mlp_block(%arg0: i32, %arg1: memref<1280x128xf32, #tpu.memory_space<vmem>>, %arg2: memref<1280x128xf32, #tpu.memory_space<vmem>>, %arg3: memref<1280x128xf32, #tpu.memory_space<vmem>>, %arg4: memref<128x128xf32, #tpu.memory_space<vmem>>, %arg5: memref<128x128xf32, #tpu.memory_space<vmem>>, %arg6: memref<1x128xf32, #tpu.memory_space<vmem>>, %arg7: memref<128x128xf32, #tpu.memory_space<vmem>>, %arg8: memref<1x128xf32, #tpu.memory_space<vmem>>, %arg9: memref<128x128xf32, #tpu.memory_space<vmem>>, %arg10: memref<1x128xf32, #tpu.memory_space<vmem>>, %arg11: memref<1280x128xf32, #tpu.memory_space<vmem>>) attributes {dimension_semantics = [#tpu.dimension_semantics<arbitrary>], iteration_bounds = array<i64: 8>, scalar_prefetch = 0 : i64, scratch_operands = 0 : i64, tpu.core_type = #tpu.core_type<tc>, window_params = [{transform_indices = @transform_0, window_bounds = array<i64: 1280, 128>}, {transform_indices = @transform_1, window_bounds = array<i64: 1280, 128>}, {transform_indices = @transform_2, window_bounds = array<i64: 1280, 128>}, {pipeline_mode = #tpu.pipeline_mode<synchronous>, transform_indices = @transform_3, window_bounds = array<i64: 128, 128>}, {pipeline_mode = #tpu.pipeline_mode<synchronous>, transform_indices = @transform_4, window_bounds = array<i64: 128, 128>}, {pipeline_mode = #tpu.pipeline_mode<synchronous>, transform_indices = @transform_5, window_bounds = array<i64: 1, 128>}, {pipeline_mode = #tpu.pipeline_mode<synchronous>, transform_indices = @transform_6, window_bounds = array<i64: 128, 128>}, {pipeline_mode = #tpu.pipeline_mode<synchronous>, transform_indices = @transform_7, window_bounds = array<i64: 1, 128>}, {pipeline_mode = #tpu.pipeline_mode<synchronous>, transform_indices = @transform_8, window_bounds = array<i64: 128, 128>}, {pipeline_mode = #tpu.pipeline_mode<synchronous>, transform_indices = @transform_9, window_bounds = array<i64: 1, 128>}, {transform_indices = @transform_10, window_bounds = array<i64: 1280, 128>}]} {
    %get3A = arith.constant 0 : index
    %get3A_0 = arith.constant 0 : index
    %get3A_1 = vector.load %arg1[%get3A, %get3A_0] : memref<1280x128xf32, #tpu.memory_space<vmem>>, vector<1280x128xf32>
    %get3A_2 = arith.constant 0 : index
    %get3A_3 = arith.constant 0 : index
    %get3A_4 = vector.load %arg2[%get3A_2, %get3A_3] : memref<1280x128xf32, #tpu.memory_space<vmem>>, vector<1280x128xf32>
    %add3A = arith.addf %get3A_1, %get3A_4 : vector<1280x128xf32>
    %get3A_5 = arith.constant 0 : index
    %get3A_6 = arith.constant 0 : index
    %get3A_7 = vector.load %arg4[%get3A_5, %get3A_6] : memref<128x128xf32, #tpu.memory_space<vmem>>, vector<128x128xf32>
    %dot_general3A = arith.constant dense<0.000000e+00> : vector<1280x128xf32>
    %dot_general3A_8 = tpu.matmul %add3A, %get3A_7, %dot_general3A {dimension_numbers = #tpu.dot_dimension_numbers<[1], [0], [0], [1], [0, 0, 1, 1], [], []>, transpose_lhs_hint = false} : vector<1280x128xf32>, vector<128x128xf32>, vector<1280x128xf32> -> vector<1280x128xf32>
    %get3A_9 = arith.constant 0 : index
    %get3A_10 = arith.constant 0 : index
    %get3A_11 = vector.load %arg3[%get3A_9, %get3A_10] : memref<1280x128xf32, #tpu.memory_space<vmem>>, vector<1280x128xf32>
    %get3A_12 = arith.constant 0 : index
    %get3A_13 = arith.constant 0 : index
    %get3A_14 = vector.load %arg5[%get3A_12, %get3A_13] : memref<128x128xf32, #tpu.memory_space<vmem>>, vector<128x128xf32>
    %dot_general3A_15 = arith.constant dense<0.000000e+00> : vector<1280x128xf32>
    %dot_general3A_16 = tpu.matmul %get3A_11, %get3A_14, %dot_general3A_15 {dimension_numbers = #tpu.dot_dimension_numbers<[1], [0], [0], [1], [0, 0, 1, 1], [], []>, transpose_lhs_hint = false} : vector<1280x128xf32>, vector<128x128xf32>, vector<1280x128xf32> -> vector<1280x128xf32>
    %add3A_17 = arith.addf %dot_general3A_8, %dot_general3A_16 : vector<1280x128xf32>
    %get3A_18 = arith.constant 0 : index
    %get3A_19 = arith.constant 0 : index
    %get3A_20 = vector.load %arg6[%get3A_18, %get3A_19] : memref<1x128xf32, #tpu.memory_space<vmem>>, vector<1x128xf32>
    %add3A_21 = vector.broadcast %get3A_20 : vector<1x128xf32> to vector<1280x128xf32>
    %add3A_22 = arith.addf %add3A_17, %add3A_21 : vector<1280x128xf32>
    %max3A = arith.constant 0.000000e+00 : f32
    %max3A_23 = vector.broadcast %max3A : f32 to vector<1280x128xf32>
    %max3A_24 = arith.maximumf %add3A_22, %max3A_23 : vector<1280x128xf32>
    %get3A_25 = arith.constant 0 : index
    %get3A_26 = arith.constant 0 : index
    %get3A_27 = vector.load %arg7[%get3A_25, %get3A_26] : memref<128x128xf32, #tpu.memory_space<vmem>>, vector<128x128xf32>
    %dot_general3A_28 = arith.constant dense<0.000000e+00> : vector<1280x128xf32>
    %dot_general3A_29 = tpu.matmul %max3A_24, %get3A_27, %dot_general3A_28 {dimension_numbers = #tpu.dot_dimension_numbers<[1], [0], [0], [1], [0, 0, 1, 1], [], []>, transpose_lhs_hint = false} : vector<1280x128xf32>, vector<128x128xf32>, vector<1280x128xf32> -> vector<1280x128xf32>
    %get3A_30 = arith.constant 0 : index
    %get3A_31 = arith.constant 0 : index
    %get3A_32 = vector.load %arg8[%get3A_30, %get3A_31] : memref<1x128xf32, #tpu.memory_space<vmem>>, vector<1x128xf32>
    %add3A_33 = vector.broadcast %get3A_32 : vector<1x128xf32> to vector<1280x128xf32>
    %add3A_34 = arith.addf %dot_general3A_29, %add3A_33 : vector<1280x128xf32>
    %max3A_35 = arith.constant 0.000000e+00 : f32
    %max3A_36 = vector.broadcast %max3A_35 : f32 to vector<1280x128xf32>
    %max3A_37 = arith.maximumf %add3A_34, %max3A_36 : vector<1280x128xf32>
    %get3A_38 = arith.constant 0 : index
    %get3A_39 = arith.constant 0 : index
    %get3A_40 = vector.load %arg9[%get3A_38, %get3A_39] : memref<128x128xf32, #tpu.memory_space<vmem>>, vector<128x128xf32>
    %dot_general3A_41 = arith.constant dense<0.000000e+00> : vector<1280x128xf32>
    %dot_general3A_42 = tpu.matmul %max3A_37, %get3A_40, %dot_general3A_41 {dimension_numbers = #tpu.dot_dimension_numbers<[1], [0], [0], [1], [0, 0, 1, 1], [], []>, transpose_lhs_hint = false} : vector<1280x128xf32>, vector<128x128xf32>, vector<1280x128xf32> -> vector<1280x128xf32>
    %get3A_43 = arith.constant 0 : index
    %get3A_44 = arith.constant 0 : index
    %get3A_45 = vector.load %arg10[%get3A_43, %get3A_44] : memref<1x128xf32, #tpu.memory_space<vmem>>, vector<1x128xf32>
    %add3A_46 = vector.broadcast %get3A_45 : vector<1x128xf32> to vector<1280x128xf32>
    %add3A_47 = arith.addf %dot_general3A_42, %add3A_46 : vector<1280x128xf32>
    %swap3A = arith.constant 0 : index
    %swap3A_48 = arith.constant 0 : index
    %swap3A_49 = vector.load %arg11[%swap3A, %swap3A_48] : memref<1280x128xf32, #tpu.memory_space<vmem>>, vector<1280x128xf32>
    tpu.vector_store %arg11[%swap3A, %swap3A_48], %add3A_47 {strides = array<i32>} : memref<1280x128xf32, #tpu.memory_space<vmem>>, vector<1280x128xf32>,
    return
  }
  func.func @transform_0(%arg0: i32) -> (i32, i32) {
    %c0_i32 = arith.constant 0 : i32
    %c0_i32_0 = arith.constant 0 : i32
    return %arg0, %c0_i32 : i32, i32
  }
  func.func @transform_1(%arg0: i32) -> (i32, i32) {
    %c0_i32 = arith.constant 0 : i32
    %c0_i32_0 = arith.constant 0 : i32
    return %arg0, %c0_i32 : i32, i32
  }
  func.func @transform_2(%arg0: i32) -> (i32, i32) {
    %c0_i32 = arith.constant 0 : i32
    %c0_i32_0 = arith.constant 0 : i32
    return %arg0, %c0_i32 : i32, i32
  }
  func.func @transform_3(%arg0: i32) -> (i32, i32) {
    %c0_i32 = arith.constant 0 : i32
    %c0_i32_0 = arith.constant 0 : i32
    %c0_i32_1 = arith.constant 0 : i32
    return %c0_i32, %c0_i32_0 : i32, i32
  }
  func.func @transform_4(%arg0: i32) -> (i32, i32) {
    %c0_i32 = arith.constant 0 : i32
    %c0_i32_0 = arith.constant 0 : i32
    %c0_i32_1 = arith.constant 0 : i32
    return %c0_i32, %c0_i32_0 : i32, i32
  }
  func.func @transform_5(%arg0: i32) -> (i32, i32) {
    %c0_i32 = arith.constant 0 : i32
    %c0_i32_0 = arith.constant 0 : i32
    %c0_i32_1 = arith.constant 0 : i32
    return %c0_i32, %c0_i32_0 : i32, i32
  }
  func.func @transform_6(%arg0: i32) -> (i32, i32) {
    %c0_i32 = arith.constant 0 : i32
    %c0_i32_0 = arith.constant 0 : i32
    %c0_i32_1 = arith.constant 0 : i32
    return %c0_i32, %c0_i32_0 : i32, i32
  }
  func.func @transform_7(%arg0: i32) -> (i32, i32) {
    %c0_i32 = arith.constant 0 : i32
    %c0_i32_0 = arith.constant 0 : i32
    %c0_i32_1 = arith.constant 0 : i32
    return %c0_i32, %c0_i32_0 : i32, i32
  }
  func.func @transform_8(%arg0: i32) -> (i32, i32) {
    %c0_i32 = arith.constant 0 : i32
    %c0_i32_0 = arith.constant 0 : i32
    %c0_i32_1 = arith.constant 0 : i32
    return %c0_i32, %c0_i32_0 : i32, i32
  }
  func.func @transform_9(%arg0: i32) -> (i32, i32) {
    %c0_i32 = arith.constant 0 : i32
    %c0_i32_0 = arith.constant 0 : i32
    %c0_i32_1 = arith.constant 0 : i32
    return %c0_i32, %c0_i32_0 : i32, i32
  }
  func.func @transform_10(%arg0: i32) -> (i32, i32) {
    %c0_i32 = arith.constant 0 : i32
    %c0_i32_0 = arith.constant 0 : i32
    return %arg0, %c0_i32 : i32, i32
  }
}

</mosaic_0001>

<sc_bundles>
// kernel: kernel.4.cloned.1.call-start
scs
__scs_entry_jumppad:
0x0: {  	(pc) =	sbr.rel $0x88, $3  }
0x1: {  	(tag) =	ssettag $0x0;
	lr =	simm.s32 $0x1  }
0x2: {  	[smem:$0x3F99] =	sst lr;
	_ =	strace $0xD0000000  }
0x3: {  	_ = 	snop  }
0x4: {  	_ = 	snop  }
0x5: {  	_ = 	snop  }
0x6: {  	_ = 	snop  }
0x7: {  	_ = 	snop  }
__scs_overlays_trampoline_lowered:
0x8: {  	[smem:$0x3FA8] =	sst s0  }
0x9: {  	[smem:$0x3FA9] =	sst s1  }
0xa: {  	[smem:$0x3FAA] =	sst s2  }
0xb: {  	[smem:$0x3FAB] =	sst s3  }
0xc: {  	[smem:$0x3FAC] =	sst s4  }
0xd: {  	[smem:$0x3FAD] =	sst s5  }
0xe: {  	[smem:$0x3FAE] =	sst s6  }
0xf: {  	[smem:$0x3FAF] =	sst s7  }
0x10: {  	[smem:$0x3FB0] =	sst s8  }
0x11: {  	[smem:$0x3FB1] =	sst s9;
	s0 =	simm.s32 @!p0 $0x0  }
0x12: {  	s1 =	sld [smem:$0x3F97];
	s0 =	simm.s32 @p0 $0x1  }
0x13: {  	[smem:$0x3FB2] =	sst s0;
	s0 =	simm.s32 @!p1 $0x0  }
0x14: {  	s2 =	sld [smem:$0x3F96];
	s0 =	simm.s32 @p1 $0x1  }
0x15: {  	[smem:$0x3FB3] =	sst s0;
	s0 =	simm.s32 @!p2 $0x0  }
0x16: {  	s3 =	sld [smem:$0x3FDB];
	s0 =	simm.s32 @p2 $0x1  }
0x17: {  	s4 =	simm.s32 $0x1BF5;
	[smem:$0x3FB5] =	sst s0  }
0x18: {  	s0 =	sld [smem:$0x3F98];
	_ =	swait.ge [sflag:s4], $0x0  }
0x19: {  	s7 =	sld [smem:$0x3F99]  }
0x1a: {  	s8 =	sadd.s32 $0xFFFFE003, lr  }
0x1b: {  	s9 =	sadd.s32 $0xFFFFFEF7, lr;
	s5 =	simm.s32 $0xFFFFFFFF;
	p2 =	slt.u32 s8, $0xFFFFF086  }
0x1c: {  	p1 =	slt.u32 s9, $0xF7A;
	s5 =	simm.s32 @!p2 $0x0  }
0x1d: {  	s5 =	simm.s32 @p1 $0x1;
	p0 =	seq.s32 s7, s2  }
0x1e: {  	s7 =	smul.u32 @!p0 $0xF7A, s2;
	p2 =	seq.s32 @!p0 s5, $0x0  }
0x1f: {  	s9 =	smul.u32 $0xF7A, s1;
	s8 =	simm.s32 @!p0 $0x1BF5;
	p2 =	por !p2, p0  }
0x20: {  	[sflag:s8] =	ssyncset.s32 @!p0 $0xFFFFF086;
	s6 =	sadd.s32 @!p0 s3, s7;
	s7 =	simm.s32 @!p0 $0x108  }
0x21: {  	s3 =	sadd.s32 s3, s9;
	s6 =	sadd.s32 @!p0 $0x88, s6;
	s7 =	simm.s32 @p2 $0x1082  }
0x22: {  	[simem:s7], [sflag:s8] =	dma.local @!p0 [hbm:s6], $0xF7A  }
0x23: {  	s9 =	sor.u32 $0xD0000000, s2;
	s6 =	simm.s32 $0x108;
	_ =	swait.ge @!p0 [sflag:s8], $0x0  }
0x24: {  	s3 =	sadd.s32 $0x88, s3;
	s6 =	simm.s32 @!p1 $0x1082;
	[sflag:s4] =	ssyncset.s32 $0xFFFFF086  }
0x25: {  	[simem:s6], [sflag:s4] =	dma.local [hbm:s3], $0xF7A  }
0x26: {  	[smem:$0x3F99] =	sst s1;
	(tag) =	ssettag s2;
	_ =	strace s9  }
0x27: {  	s1 =	sld [smem:$0x3FA9]  }
0x28: {  	s2 =	sld [smem:$0x3FAA]  }
0x29: {  	s4 =	sld [smem:$0x3FAC]  }
0x2a: {  	p0 =	seq.s32 s5, $0x0;
	s5 =	sld [smem:$0x3FAD]  }
0x2b: {  	s6 =	sld [smem:$0x3FAE]  }
0x2c: {  	s7 =	sld [smem:$0x3FAF]  }
0x2d: {  	s3 =	simm.s32 $0x108;
	s8 =	sld [smem:$0x3FB0]  }
0x2e: {  	s3 =	simm.s32 @!p0 $0x1082;
	s9 =	sld [smem:$0x3FB1]  }
0x2f: {  	lr =	sadd.s32 s0, s3;
	s0 =	sld [smem:$0x3FA8]  }
0x30: {  	s3 =	sld [smem:$0x3FAB]  }
0x31: {  	[smem:$0x3FB4] =	sst s10  }
0x32: {  	s10 =	sld [smem:$0x3FB2];
	_ =	sdelay $0x3  }
0x33: {  	p0 =	seq.s32 s10, $0x1;
	s10 =	sld [smem:$0x3FB4];
	_ =	sdelay $0x3  }
0x34: {  	[smem:$0x3FB4] =	sst s10  }
0x35: {  	s10 =	sld [smem:$0x3FB3];
	_ =	sdelay $0x3  }
0x36: {  	p1 =	seq.s32 s10, $0x1;
	s10 =	sld [smem:$0x3FB4];
	_ =	sdelay $0x3  }
0x37: {  	[smem:$0x3FB4] =	sst s10  }
0x38: {  	s10 =	sld [smem:$0x3FB5]  }
0x39: {  	_ = 	snop;
	(pc) =	sbr.ind lr, $3  }
0x3a: {  	_ = 	snop  }
0x3b: {  	_ = 	snop  }
0x3c: {  	p2 =	seq.s32 s10, $0x1;
	s10 =	sld [smem:$0x3FB4]  }
0x3d: {  	_ =	shalt  }
0x3e: {  	_ =	shalt  }
0x3f: {  	_ =	shalt  }
0x40: {  	_ =	shalt  }
0x41: {  	_ =	shalt  }
0x42: {  	_ =	shalt  }
0x43: {  	_ =	shalt  }
0x44: {  	_ =	shalt  }
0x45: {  	_ =	shalt  }
0x46: {  	_ =	shalt  }
0x47: {  	_ =	shalt  }
0x48: {  	_ =	shalt  }
0x49: {  	_ =	shalt  }
0x4a: {  	_ =	shalt  }
0x4b: {  	_ =	shalt  }
0x4c: {  	_ =	shalt  }
0x4d: {  	_ =	shalt  }
0x4e: {  	_ =	shalt  }
0x4f: {  	_ =	shalt  }
0x50: {  	_ =	shalt  }
0x51: {  	_ =	shalt  }
0x52: {  	_ =	shalt  }
0x53: {  	_ =	shalt  }
0x54: {  	_ =	shalt  }
0x55: {  	_ =	shalt  }
0x56: {  	_ =	shalt  }
0x57: {  	_ =	shalt  }
0x58: {  	_ =	shalt  }
0x59: {  	_ =	shalt  }
0x5a: {  	_ =	shalt  }
0x5b: {  	_ =	shalt  }
0x5c: {  	_ =	shalt  }
0x5d: {  	_ =	shalt  }
0x5e: {  	_ =	shalt  }
0x5f: {  	_ =	shalt  }
0x60: {  	_ =	shalt  }
0x61: {  	_ =	shalt  }
0x62: {  	_ =	shalt  }
0x63: {  	_ =	shalt  }
0x64: {  	_ =	shalt  }
0x65: {  	_ =	shalt  }
0x66: {  	_ =	shalt  }
0x67: {  	_ =	shalt  }
0x68: {  	_ =	shalt  }
0x69: {  	_ =	shalt  }
0x6a: {  	_ =	shalt  }
0x6b: {  	_ =	shalt  }
0x6c: {  	_ =	shalt  }
0x6d: {  	_ =	shalt  }
0x6e: {  	_ =	shalt  }
0x6f: {  	_ =	shalt  }
0x70: {  	_ =	shalt  }
0x71: {  	_ =	shalt  }
0x72: {  	_ =	shalt  }
0x73: {  	_ =	shalt  }
0x74: {  	_ =	shalt  }
0x75: {  	_ =	shalt  }
0x76: {  	_ =	shalt  }
0x77: {  	_ =	shalt  }
0x78: {  	_ =	shalt  }
0x79: {  	_ =	shalt  }
0x7a: {  	_ =	shalt  }
0x7b: {  	_ =	shalt  }
0x7c: {  	_ =	shalt  }
0x7d: {  	_ =	shalt  }
0x7e: {  	_ =	shalt  }
0x7f: {  	_ =	shalt  }
0x80: {  	_ =	shalt  }
0x81: {  	_ =	shalt  }
0x82: {  	_ =	shalt  }
0x83: {  	_ =	shalt  }
0x84: {  	_ =	shalt  }
0x85: {  	_ =	shalt  }
0x86: {  	_ =	shalt  }
0x87: {  	_ =	shalt  }
.Lfunc_end0:
.L_simem_size_0:
called_computation_lowered:
.L_overlay_start_0:
0x88: {  	s2 =	sld [smem:$0x3FD9]  }
0x89: {  	s3 =	sld [smem:$0x3FFE];
	_ =	sdelay $0x1  }
0x8a: {  	s1 =	srdreg.scid  }
0x8b: {  	s0 =	sand.u32 $0x1, s1  }
0x8c: {  	s17 =	sshll.u32 s0, $0xA;
	s2 =	sadd.s32 s3, s2  }
0x8d: {  	s2 =	sadd.s32 s2, s17  }
0x8e: {  	[smem:$0x3FC0] =	sst s2  }
0x8f: {  	_ = 	snop  }
0x90: {  	s2 =	sld [smem:$0x3FC9]  }
0x91: {  	s18 =	sld [smem:$0x3FD0];
	(tm) =	ssettm $0x1  }
0x92: {  	s4 =	sld [smem:$0x3FFB];
	_ =	sdelay $0x3  }
0x93: {  	_ =	strace s4  }
0x94: {  	s4 =	sld [smem:$0x3FFC];
	_ =	sdelay $0x3  }
0x95: {  	_ =	strace s4  }
0x96: {  	s4 =	sld [smem:$0x3FFD];
	_ =	sdelay $0x3  }
0x97: {  	_ =	strace s4  }
0x98: {  	_ =	strace $0x8FFFFFFF  }
0x99: {  	s19 =	sld [smem:$0x3FDB];
	_ =	sdelay $0x1  }
0x9a: {  	s5 =	simm.s32 $_scs_section_size  }
0x9b: {  	s6 =	simm.s32 $_size__tile_overlayer_lowered;
	s7 =	simm.s32 $_tile_overlayer_lowered  }
0x9c: {  	s22 =	simm.s32 $0x1BFF;
	s21 =	sshll.u32 s7, $0x1;
	s4 =	sadd.s32 s5, s19  }
0x9d: {  	s8 =	simm.s32 $0x0;
	s20 =	sshll.u32 s6, $0x1;
	s6 =	sadd.s32 s21, s4  }
0x9e: {  	[timem:s8], [sflag:s22] =	dma.local [hbm:s6], s20  }
0x9f: {  	_ =	swait.ge [sflag:s22], s20  }
0xa0: {  	s5 =	ssub.s32 $0x0, s20;
	[sflag:s22] =	ssyncset.done $0x0  }
0xa1: {  	[sflag:s22] =	ssyncadd.s32 s5;
	_ =	sdelay $0x1  }
0xa2: {  	s23 =	simm.s32 $0x1B8B  }
0xa3: {  	_ =	swait.ge [sflag:s23], $0x1  }
0xa4: {  	[sflag:s23] =	ssyncset.done $0x0  }
0xa5: {  	s25 =	simm.s32 $0x1B8E;
	s24 =	sld [smem:$0x3FFE];
	[sflag:s23] =	ssyncadd.s32 $0xFFFFFFFF  }
0xa6: {  	s26 =	simm.s32 $execute0_lowered;
	[smem:$0x3FD2] =	sst s25  }
0xa7: {  	s6 =	sshll.u32 s26, $0x1;
	_ =	strace $0x80000046;
	[dreg:$0x1] =	wrdreg $0xFFFFFFFF  }
0xa8: {  	s28 =	simm.s32 $_size_execute0_lowered;
	s4 =	sadd.s32 s4, s6;
	[dreg:$0x0] =	wrdreg $0x0  }
0xa9: {  	s6 =	sshll.u32 s28, $0x1;
	[dreg:$0x2] =	wrdreg s4  }
0xaa: {  	[dreg:$0x3] =	wrdreg s6  }
0xab: {  	[dreg:$0x4] =	wrdreg $0xC0  }
0xac: {  	_ =	task [dreg:s8], $0x5FFFF  }
0xad: {  	[dreg:$0x1] =	wrdreg $0xFFFFFFFF  }
0xae: {  	[dreg:$0x0] =	wrdreg $0x60  }
0xaf: {  	[dreg:$0x2] =	wrdreg s2  }
0xb0: {  	[dreg:$0x3] =	wrdreg s24  }
0xb1: {  	[dreg:$0x4] =	wrdreg s18  }
0xb2: {  	[dreg:$0x5] =	wrdreg $0x0  }
0xb3: {  	[dreg:$0x6] =	wrdreg $0x9  }
0xb4: {  	_ =	task.clear_ibuf [dreg:s8], $0x7FFFF;
	_ =	strace $0x90000046  }
0xb5: {  	s29 =	simm.s32 $0x9;
	_ =	strace $0x80000048  }
0xb6: {  	_ =	swait.ge [sflag:s29], $0x1  }
0xb7: {  	[sflag:s29] =	ssyncadd.s32 $0xFFFFFFFF  }
0xb8: {  	_ =	strace $0x90000048  }
0xb9: {  	_ =	sfence  }
0xba: {  	s30 =	sld [smem:$0x0];
	_ =	sdelay $0x2  }
0xbb: {  	s31 =	sshll.u32 s1, $0xD;
	s1 =	sshrl.u32 s1, $0x2  }
0xbc: {  	s3 =	sand.u32 $0x4000, s31;
	s1 =	sadd.s32 s1, s30  }
0xbd: {  	s0 =	sor.u32 s3, s0;
	s1 =	sshll.u32 s1, $0x11  }
0xbe: {  	s0 =	sor.u32 s1, s0  }
0xbf: {  	s0 =	sadd.s32 $0x8F2B, s0  }
0xc0: {  	[sflag:s0] =	ssyncadd.remote.s32 $0x1  }
0xc1: {  	_ =	sfence.sel $0xFFFF  }
0xc2: {  	[dreg:$0x0] =	wrdreg $0xFFFFFFFF;
	(pc) =	sbr.abs _section_cstart, $3  }
0xc3: {  	[dreg:$0x1] =	wrdreg $0xFFFFFFFF  }
0xc4: {  	_ =	task.clear_ibuf [dreg:s8], $0x2FFFF;
	_ =	strace $0x9FFFFFFF  }
0xc5: {  	(tm) =	ssettm $0x7FFFFFFF  }
tec
execute0_lowered:
.L_overlay_start_1:
0x0: {  	(tag) =	ssettag $0x1  }
0x1: {  	s1 =	rddreg [dreg:$0x0]  }
0x2: {  	s0 =	rddreg [dreg:$0x1];
	s2 =	srdreg.scid  }
0x3: {  	s9 =	stileid.u32;
	s15 =	rddreg [dreg:$0x2]  }
0x4: {  	s3 =	rddreg [dreg:$0x3];
	s4 =	simm.s32 $0x0;
	s5 =	smul.u32 $0x4E20, s9  }
0x5: {  	s28 =	simm.s32 $0x14000;
	s29 =	simm.s32 $0x14080;
	s7 =	smul.u32 $0x280, s9  }
0x6: {  	s30 =	simm.s32 $0x50;
	s2 =	sand.u32 $0x1, s2;
	s18 =	smul.u32 $0x50000, s9  }
0x7: {  	s31 =	simm.s32 $0x14100;
	[smem:$0x7FF] =	sst s4;
	s6 =	smul.u32 $0x2710, s2  }
0x8: {  	s21 =	sshll.u32 s9, $0x6;
	s8 =	smul.u32 $0x2800, s2;
	s2 =	ssub.s32 $0x2, s2  }
0x9: {  	_ =	strace $0x80000047;
	s19 =	sshrl.u32 s18, $0x2;
	s20 =	sshrl.u32 s2, $0x1  }
0xa: {  	s5 =	sadd.s32 s6, s5;
	s17 =	sadd.s32 s7, s8;
	s2 =	ssub.s32 s2, s20  }
0xb: {  	s16 =	sshrl.u32 s5, $0x3;
	s5 =	sadd.s32 $0xB200, s0;
	s6 =	sshll.u32 s17, $0x4  }
0xc: {  	s25 =	sadd.s32 s16, s0;
	s0 =	sadd.s32 s6, s0;
	s6 =	sadd.s32 s19, s3  }
0xd: {  	s7 =	sor.u32 $0x1C02, s21;
	s21 =	sadd.s32 s16, s15;
	s8 =	sadd.s32 $0x2800, s6  }
0xe: {  	s9 =	sadd.s32 $0x5000, s6;
	s10 =	sadd.s32 $0x7800, s6;
	s17 =	sadd.s32 $0xB800, s0  }
0xf: {  	s11 =	sadd.s32 $0xA000, s6;
	s22 =	sadd.s32 $0xBD00, s0;
	[dreg:$0x5] =	wrdreg s17  }
0x10: {  	s12 =	sadd.s32 $0xC800, s6;
	s23 =	sadd.s32 $0xC200, s0;
	[dreg:$0x6] =	wrdreg s22  }
0x11: {  	s13 =	sadd.s32 $0xF000, s6;
	s24 =	sadd.s32 $0xC700, s0;
	[dreg:$0x7] =	wrdreg s23  }
0x12: {  	s14 =	sadd.s32 $0x11800, s6;
	s26 =	sadd.s32 $0xCC00, s0;
	[dreg:$0x8] =	wrdreg s24  }
0x13: {  	s20 =	sadd.s32 $0xD100, s0;
	s25 =	sadd.s32 $0x1400, s25;
	[dreg:$0x9] =	wrdreg s26  }
0x14: {  	s22 =	sadd.s32 $0xD600, s0;
	s23 =	sadd.s32 $0xDB00, s0;
	s24 =	smax.u32 s2, $0x1  }
0x15: {  	s26 =	simm.s32 $0x2;
	s2 =	simm.s32 $0x1;
	s0 =	simm.s32 $0x0  }
.LBB2_1:
0x16: {  	s15 =	sshrl.u32 s6, $0x3  }
0x17: {  	[spmem:s15], [sflag:s7] =	dma.local [hbm:s5], $0x500  }
0x18: {  	_ =	swait.ge [sflag:s26], $0x500  }
0x19: {  	[sflag:s26] =	ssyncset.done $0x0  }
0x1a: {  	s19 =	sshrl.u32 s8, $0x3;
	[sflag:s26] =	ssyncadd.s32 $0xFFFFFB00  }
0x1b: {  	[spmem:s19], [sflag:s7] =	dma.local [hbm:s5], $0x500  }
0x1c: {  	_ =	swait.ge [sflag:s26], $0x500  }
0x1d: {  	[sflag:s26] =	ssyncset.done $0x0  }
0x1e: {  	s16 =	sshrl.u32 s9, $0x3;
	[sflag:s26] =	ssyncadd.s32 $0xFFFFFB00  }
0x1f: {  	[spmem:s16], [sflag:s7] =	dma.local [hbm:s5], $0x500  }
0x20: {  	_ =	swait.ge [sflag:s26], $0x500  }
0x21: {  	[sflag:s26] =	ssyncset.done $0x0  }
0x22: {  	s17 =	sshrl.u32 s10, $0x3;
	[sflag:s26] =	ssyncadd.s32 $0xFFFFFB00  }
0x23: {  	[spmem:s17], [sflag:s7] =	dma.local [hbm:s5], $0x500  }
0x24: {  	_ =	swait.ge [sflag:s26], $0x500  }
0x25: {  	[sflag:s26] =	ssyncset.done $0x0  }
0x26: {  	s18 =	sshrl.u32 s11, $0x3;
	[sflag:s26] =	ssyncadd.s32 $0xFFFFFB00  }
0x27: {  	[spmem:s18], [sflag:s7] =	dma.local [hbm:s5], $0x500  }
0x28: {  	_ =	swait.ge [sflag:s26], $0x500  }
0x29: {  	[sflag:s26] =	ssyncset.done $0x0  }
0x2a: {  	s19 =	sshrl.u32 s12, $0x3;
	[sflag:s26] =	ssyncadd.s32 $0xFFFFFB00  }
0x2b: {  	[spmem:s19], [sflag:s7] =	dma.local [hbm:s5], $0x500  }
0x2c: {  	_ =	swait.ge [sflag:s26], $0x500  }
0x2d: {  	[sflag:s26] =	ssyncset.done $0x0  }
0x2e: {  	s16 =	sshrl.u32 s13, $0x3;
	[sflag:s26] =	ssyncadd.s32 $0xFFFFFB00  }
0x2f: {  	[spmem:s16], [sflag:s7] =	dma.local [hbm:s5], $0x500  }
0x30: {  	_ =	swait.ge [sflag:s26], $0x500  }
0x31: {  	[sflag:s26] =	ssyncset.done $0x0  }
0x32: {  	s17 =	sshrl.u32 s14, $0x3;
	[sflag:s26] =	ssyncadd.s32 $0xFFFFFB00  }
0x33: {  	[spmem:s17], [sflag:s7] =	dma.local [hbm:s5], $0x500  }
0x34: {  	_ =	swait.ge [sflag:s26], $0x500  }
0x35: {  	[sflag:s26] =	ssyncset.done $0x0  }
0x36: {  	[sflag:s26] =	ssyncadd.s32 $0xFFFFFB00  }
0x37: {  	s18 =	sadd.s32 $0x0, s25;
	[bflag:$0x0] =	sbarrier.arrive $0xFFFF  }
0x38: {  	[tilespmem:s28], [sflag:$0x2] =	stream.linear.gather [hbm4b:s18+s4], $0x50, $0x38;
	[tilespmem:$0x16900] =	vst v63  }
0x39: {  	_ =	swait.ge [sflag:s26], $0x50  }
0x3a: {  	[sflag:s26] =	ssyncset.done $0x0  }
0x3b: {  	s19 =	sadd.s32 $0x0, s21;
	[sflag:s26] =	ssyncadd.s32 $0xFFFFFFB0  }
0x3c: {  	[tilespmem:s29], [sflag:$0x2] =	stream.linear.gather [hbm4b:s19+s4], $0x50, $0x38;
	[tilespmem:$0x16900] =	vst v63  }
0x3d: {  	_ =	swait.ge [sflag:s26], $0x50  }
0x3e: {  	[sflag:s26] =	ssyncset.done $0x0  }
0x3f: {  	[sflag:s26] =	ssyncadd.s32 $0xFFFFFFB0  }
0x40: {  	[tilespmem:s31], [sflag:$0x1] =	stream.indirect.gather [hbm4b:s1+s30], $0x80, s28, s30, $0xb8;
	[tilespmem:$0x16900] =	vst v63  }
0x41: {  	_ =	swait.ge [sflag:s2], $0x2800  }
0x42: {  	[sflag:s2] =	ssyncset.done $0x0  }
0x43: {  	[sflag:s2] =	ssyncadd.s32 $0xFFFFD800  }
0x44: {  	[spmem:s3] =	stream.indirect.scatter.add.f32 [tilespmem:s31], [sflag:$0x2], $0x80, s29, s30, $0xb8;
	[tilespmem:$0x16900] =	vst v63  }
0x45: {  	_ =	swait.ge [sflag:s26], $0x2800  }
0x46: {  	s15 =	simm.s32 $0xA;
	s16 =	simm.s32 $0x14;
	[sflag:s26] =	ssyncset.done $0x0  }
.LBB2_2:
0x47: {  	s17 =	sadd.s32 s15, s25  }
0x48: {  	[sflag:s26] =	ssyncadd.s32 $0xFFFFD800;
	s18 =	smov.u32 s16;
	s19 =	sadd.s32 $0xA, s16  }
0x49: {  	[tilespmem:s28], [sflag:$0x2] =	stream.linear.gather [hbm4b:s17+s4], $0x50, $0x38;
	[tilespmem:$0x16900] =	vst v63  }
0x4a: {  	p0 =	sne.s32 s16, $0x4D8;
	_ =	swait.ge [sflag:s26], $0x50  }
0x4b: {  	[sflag:s26] =	ssyncset.done $0x0  }
0x4c: {  	s16 =	sadd.s32 s15, s21;
	s15 =	smov.u32 s18;
	[sflag:s26] =	ssyncadd.s32 $0xFFFFFFB0  }
0x4d: {  	[tilespmem:s29], [sflag:$0x2] =	stream.linear.gather [hbm4b:s16+s4], $0x50, $0x38;
	[tilespmem:$0x16900] =	vst v63  }
0x4e: {  	_ =	swait.ge [sflag:s26], $0x50  }
0x4f: {  	[sflag:s26] =	ssyncset.done $0x0  }
0x50: {  	[sflag:s26] =	ssyncadd.s32 $0xFFFFFFB0  }
0x51: {  	[tilespmem:s31], [sflag:$0x1] =	stream.indirect.gather [hbm4b:s1+s30], $0x80, s28, s30, $0xb8;
	[tilespmem:$0x16900] =	vst v63  }
0x52: {  	_ =	swait.ge [sflag:s2], $0x2800  }
.Ltmp0:
0x53: {  	[sflag:s2] =	ssyncset.done $0x0;
	(pc) =	sbr.rel @p0 .LBB2_2-.Ltmp0, $4  }
0x54: {  	[sflag:s2] =	ssyncadd.s32 $0xFFFFD800  }
0x55: {  	[spmem:s3] =	stream.indirect.scatter.add.f32 [tilespmem:s31], [sflag:$0x2], $0x80, s29, s30, $0xb8;
	[tilespmem:$0x16900] =	vst v63  }
0x56: {  	_ =	swait.ge [sflag:s26], $0x2800  }
0x57: {  	s16 =	smov.u32 s19;
	[sflag:s26] =	ssyncset.done $0x0  }
0x58: {  	s16 =	sadd.s32 s15, s25;
	[sflag:s26] =	ssyncadd.s32 $0xFFFFD800  }
0x59: {  	[tilespmem:s28], [sflag:$0x2] =	stream.linear.gather [hbm4b:s16+s4], $0x50, $0x38;
	[tilespmem:$0x16900] =	vst v63  }
0x5a: {  	_ =	swait.ge [sflag:s26], $0x50  }
0x5b: {  	[sflag:s26] =	ssyncset.done $0x0  }
0x5c: {  	s18 =	sadd.s32 s15, s21;
	[sflag:s26] =	ssyncadd.s32 $0xFFFFFFB0  }
0x5d: {  	[tilespmem:s29], [sflag:$0x2] =	stream.linear.gather [hbm4b:s18+s4], $0x50, $0x38;
	[tilespmem:$0x16900] =	vst v63  }
0x5e: {  	_ =	swait.ge [sflag:s26], $0x50  }
0x5f: {  	[sflag:s26] =	ssyncset.done $0x0  }
0x60: {  	[sflag:s26] =	ssyncadd.s32 $0xFFFFFFB0  }
0x61: {  	[tilespmem:s31], [sflag:$0x1] =	stream.indirect.gather [hbm4b:s1+s30], $0x80, s28, s30, $0xb8;
	[tilespmem:$0x16900] =	vst v63  }
0x62: {  	_ =	swait.ge [sflag:s2], $0x2800  }
0x63: {  	[sflag:s2] =	ssyncset.done $0x0  }
0x64: {  	[sflag:s2] =	ssyncadd.s32 $0xFFFFD800  }
0x65: {  	[spmem:s3] =	stream.indirect.scatter.add.f32 [tilespmem:s31], [sflag:$0x2], $0x80, s29, s30, $0xb8;
	[tilespmem:$0x16900] =	vst v63  }
0x66: {  	_ =	swait.ge [sflag:s26], $0x2800  }
0x67: {  	[sflag:s26] =	ssyncset.done $0x0  }
0x68: {  	[sflag:s26] =	ssyncadd.s32 $0xFFFFD800  }
0x69: {  	[bflag:$0x0] =	sbarrier.arrive $0xFFFF  }
0x6a: {  	[tilespmem:s31], [sflag:$0x2] =	stream.linear.gather [spmem:s6], $0x2800, $0x38;
	[tilespmem:$0x16900] =	vst v63  }
0x6b: {  	_ =	swait.ge [sflag:s26], $0x2800  }
0x6c: {  	[sflag:s26] =	ssyncset.done $0x0  }
0x6d: {  	s19 =	rddreg [dreg:$0x5];
	[sflag:s26] =	ssyncadd.s32 $0xFFFFD800  }
0x6e: {  	[hbm4b:s19+s4] =	stream.linear.scatter [tilespmem:s31], [sflag:$0x2], $0x2800, $0x38;
	[tilespmem:$0x16900] =	vst v63  }
0x6f: {  	_ =	swait.ge [sflag:s26], $0x2800  }
0x70: {  	[sflag:s26] =	ssyncset.done $0x0  }
0x71: {  	[sflag:s26] =	ssyncadd.s32 $0xFFFFD800  }
0x72: {  	[tilespmem:s31], [sflag:$0x2] =	stream.linear.gather [spmem:s8], $0x2800, $0x38;
	[tilespmem:$0x16900] =	vst v63  }
0x73: {  	_ =	swait.ge [sflag:s26], $0x2800  }
0x74: {  	[sflag:s26] =	ssyncset.done $0x0  }
0x75: {  	s16 =	rddreg [dreg:$0x6];
	[sflag:s26] =	ssyncadd.s32 $0xFFFFD800  }
0x76: {  	[hbm4b:s16+s4] =	stream.linear.scatter [tilespmem:s31], [sflag:$0x2], $0x2800, $0x38;
	[tilespmem:$0x16900] =	vst v63  }
0x77: {  	_ =	swait.ge [sflag:s26], $0x2800  }
0x78: {  	[sflag:s26] =	ssyncset.done $0x0  }
0x79: {  	[sflag:s26] =	ssyncadd.s32 $0xFFFFD800  }
0x7a: {  	[tilespmem:s31], [sflag:$0x2] =	stream.linear.gather [spmem:s9], $0x2800, $0x38;
	[tilespmem:$0x16900] =	vst v63  }
0x7b: {  	_ =	swait.ge [sflag:s26], $0x2800  }
0x7c: {  	[sflag:s26] =	ssyncset.done $0x0  }
0x7d: {  	s17 =	rddreg [dreg:$0x7];
	[sflag:s26] =	ssyncadd.s32 $0xFFFFD800  }
0x7e: {  	[hbm4b:s17+s4] =	stream.linear.scatter [tilespmem:s31], [sflag:$0x2], $0x2800, $0x38;
	[tilespmem:$0x16900] =	vst v63  }
0x7f: {  	_ =	swait.ge [sflag:s26], $0x2800  }
0x80: {  	[sflag:s26] =	ssyncset.done $0x0  }
0x81: {  	[sflag:s26] =	ssyncadd.s32 $0xFFFFD800  }
0x82: {  	[tilespmem:s31], [sflag:$0x2] =	stream.linear.gather [spmem:s10], $0x2800, $0x38;
	[tilespmem:$0x16900] =	vst v63  }
0x83: {  	_ =	swait.ge [sflag:s26], $0x2800  }
0x84: {  	[sflag:s26] =	ssyncset.done $0x0  }
0x85: {  	s18 =	rddreg [dreg:$0x8];
	[sflag:s26] =	ssyncadd.s32 $0xFFFFD800  }
0x86: {  	[hbm4b:s18+s4] =	stream.linear.scatter [tilespmem:s31], [sflag:$0x2], $0x2800, $0x38;
	[tilespmem:$0x16900] =	vst v63  }
0x87: {  	_ =	swait.ge [sflag:s26], $0x2800  }
0x88: {  	[sflag:s26] =	ssyncset.done $0x0  }
0x89: {  	[sflag:s26] =	ssyncadd.s32 $0xFFFFD800  }
0x8a: {  	[tilespmem:s31], [sflag:$0x2] =	stream.linear.gather [spmem:s11], $0x2800, $0x38;
	[tilespmem:$0x16900] =	vst v63  }
0x8b: {  	_ =	swait.ge [sflag:s26], $0x2800  }
0x8c: {  	[sflag:s26] =	ssyncset.done $0x0  }
0x8d: {  	s19 =	rddreg [dreg:$0x9];
	[sflag:s26] =	ssyncadd.s32 $0xFFFFD800  }
0x8e: {  	[hbm4b:s19+s4] =	stream.linear.scatter [tilespmem:s31], [sflag:$0x2], $0x2800, $0x38;
	[tilespmem:$0x16900] =	vst v63  }
0x8f: {  	_ =	swait.ge [sflag:s26], $0x2800  }
0x90: {  	[sflag:s26] =	ssyncset.done $0x0  }
0x91: {  	[sflag:s26] =	ssyncadd.s32 $0xFFFFD800  }
0x92: {  	[tilespmem:s31], [sflag:$0x2] =	stream.linear.gather [spmem:s12], $0x2800, $0x38;
	[tilespmem:$0x16900] =	vst v63  }
0x93: {  	_ =	swait.ge [sflag:s26], $0x2800  }
0x94: {  	[sflag:s26] =	ssyncset.done $0x0  }
0x95: {  	[sflag:s26] =	ssyncadd.s32 $0xFFFFD800  }
0x96: {  	[hbm4b:s20+s4] =	stream.linear.scatter [tilespmem:s31], [sflag:$0x2], $0x2800, $0x38;
	[tilespmem:$0x16900] =	vst v63  }
0x97: {  	_ =	swait.ge [sflag:s26], $0x2800  }
0x98: {  	[sflag:s26] =	ssyncset.done $0x0  }
0x99: {  	[sflag:s26] =	ssyncadd.s32 $0xFFFFD800  }
0x9a: {  	[tilespmem:s31], [sflag:$0x2] =	stream.linear.gather [spmem:s13], $0x2800, $0x38;
	[tilespmem:$0x16900] =	vst v63  }
0x9b: {  	_ =	swait.ge [sflag:s26], $0x2800  }
0x9c: {  	[sflag:s26] =	ssyncset.done $0x0  }
0x9d: {  	[sflag:s26] =	ssyncadd.s32 $0xFFFFD800  }
0x9e: {  	[hbm4b:s22+s4] =	stream.linear.scatter [tilespmem:s31], [sflag:$0x2], $0x2800, $0x38;
	[tilespmem:$0x16900] =	vst v63  }
0x9f: {  	_ =	swait.ge [sflag:s26], $0x2800  }
0xa0: {  	[sflag:s26] =	ssyncset.done $0x0  }
0xa1: {  	[sflag:s26] =	ssyncadd.s32 $0xFFFFD800  }
0xa2: {  	[tilespmem:s31], [sflag:$0x2] =	stream.linear.gather [spmem:s14], $0x2800, $0x38;
	[tilespmem:$0x16900] =	vst v63  }
0xa3: {  	s0 =	sadd.s32 $0x1, s0;
	_ =	swait.ge [sflag:s26], $0x2800  }
0xa4: {  	p0 =	sne.s32 s0, s24;
	[sflag:s26] =	ssyncset.done $0x0  }
.Ltmp1:
0xa5: {  	[sflag:s26] =	ssyncadd.s32 $0xFFFFD800;
	(pc) =	sbr.rel @p0 .LBB2_1-.Ltmp1, $4  }
0xa6: {  	[hbm4b:s23+s4] =	stream.linear.scatter [tilespmem:s31], [sflag:$0x2], $0x2800, $0x38;
	[tilespmem:$0x16900] =	vst v63  }
0xa7: {  	_ =	swait.ge [sflag:s26], $0x2800  }
0xa8: {  	[sflag:s26] =	ssyncset.done $0x0  }
0xa9: {  	[sflag:s26] =	ssyncadd.s32 $0xFFFFD800  }
0xaa: {  	_ =	sfence.sel $0x180000  }
0xab: {  	[bflag:$0x0] =	sbarrier.arrive $0xFFFF  }
0xac: {  	_ =	strace $0x90000047  }
0xad: {  	s0 =	stileid.u32;
	[bflag:$0x2] =	sbarrier.arrive $0xFFFF  }
0xae: {  	p0 =	sne.s32 s0, $0x0;
	s0 =	rddreg [dreg:$0x4]  }
0xaf: {  	s0 =	sadd.s32 @!p0 $0x100000, s0  }
0xb0: {  	[sflag:s0] =	ssyncadd.tile.s32 @!p0 $0x1;
	_ =	shalt  }
.Lfunc_end2:
_tile_overlayer_lowered:
.L_overlay_start_2:
0xb1: {  	(tag) =	ssettag $0x2  }
0xb2: {  	s0 =	rddreg [dreg:$0x0];
	s2 =	stileid.u32  }
0xb3: {  	s1 =	rddreg [dreg:$0x1];
	p0 =	sne.s32 s2, $0x0  }
0xb4: {  	s3 =	rddreg [dreg:$0x2];
	[bflag:$0x3] =	sbarrier.arrive $0xFFFF;
	s2 =	simm.s32 @!p0 $0x1C02  }
0xb5: {  	[timem:s3], [sflag:s2] =	dma.local @!p0 [hbm:s0], s1  }
0xb6: {  	s0 =	simm.s32 @!p0 $0x2  }
0xb7: {  	_ =	swait.ge @!p0 [sflag:s0], s1  }
0xb8: {  	s1 =	ssub.s32 @!p0 $0x0, s1;
	[sflag:s0] =	ssyncset.done @!p0 $0x0  }
0xb9: {  	[sflag:s0] =	ssyncadd.s32 @!p0 s1  }
0xba: {  	[bflag:$0x3] =	sbarrier.arrive $0xFFFF  }
0xbb: {  	_ =	shalt  }

</sc_bundles>
